<compile_context>
chip_gen: v7x
topology: tpu7x:2x2x1
jax: 0.10.2.dev20260603
libtpu: 0.0.44.dev20260713+nightly
codegen_flags: <defaults>
</compile_context>

<pallas_src>
import functools

import jax
import jax.numpy as jnp
from jax import lax
from jax.experimental import pallas as pl
from jax.experimental.pallas import tpu as pltpu
from jax.experimental.pallas import tpu_sc as plsc

NUM_TIME_STEPS = 1000
BATCH = 16384
_NS = 16
_PER = BATCH // _NS
_L = 16


def _sc_gather_kernel(t_hbm, beta_hbm, alpha_hbm, beta_out, alpha_out,
                      idx_v, beta_v, alpha_v, obeta_v, oalpha_v, sem):
    base = lax.axis_index("s") * _PER

    in_copies = [
        pltpu.async_copy(t_hbm.at[pl.ds(base, _PER)], idx_v, sem),
        pltpu.async_copy(beta_hbm, beta_v, sem),
        pltpu.async_copy(alpha_hbm, alpha_v, sem),
    ]
    for cp in in_copies:
        cp.wait()

    for i in range(_PER // _L):
        off = i * _L
        idx = idx_v[pl.ds(off, _L)]
        obeta_v[pl.ds(off, _L)] = plsc.load_gather(beta_v, [idx])
    ob = pltpu.async_copy(obeta_v, beta_out.at[pl.ds(base, _PER)], sem)

    for i in range(_PER // _L):
        off = i * _L
        idx = idx_v[pl.ds(off, _L)]
        oalpha_v[pl.ds(off, _L)] = plsc.load_gather(alpha_v, [idx])
    oa = pltpu.async_copy(oalpha_v, alpha_out.at[pl.ds(base, _PER)], sem)

    ob.wait()
    oa.wait()


@jax.jit
def kernel(t, beta, alpha):
    mesh = plsc.VectorSubcoreMesh(core_axis_name="c", subcore_axis_name="s",
                                  num_cores=1)
    out_t = (
        jax.ShapeDtypeStruct((BATCH,), jnp.float32),
        jax.ShapeDtypeStruct((BATCH,), jnp.float32),
    )
    run = functools.partial(
        pl.kernel,
        mesh=mesh,
        out_type=out_t,
        scratch_types=[
            pltpu.VMEM((_PER,), jnp.int32),
            pltpu.VMEM((NUM_TIME_STEPS,), jnp.float32),
            pltpu.VMEM((NUM_TIME_STEPS,), jnp.float32),
            pltpu.VMEM((_PER,), jnp.float32),
            pltpu.VMEM((_PER,), jnp.float32),
            pltpu.SemaphoreType.DMA,
        ],
        compiler_params=pltpu.CompilerParams(needs_layout_passes=False),
    )(_sc_gather_kernel)
    return run(t.astype(jnp.int32), beta, alpha)

# --- scband reference (transcript-rebuilt; emitter-appended) ---
"""Pipeline reference for scband-ddpm-scheduler-56281251447068 (READ-ONLY COPY).

The authoritative reference and input builder live on the scoring server;
editing this copy changes nothing except your own understanding.
"""

import jax, jax.numpy as jnp
import numpy as np

NUM_TIME_STEPS = 1000
BATCH = 16384

def setup_inputs(seed: int = 0) -> dict:
    key = jax.random.key(seed)
    t = jax.random.randint(key, (BATCH,), 0, NUM_TIME_STEPS, dtype=jnp.int64 if jax.config.jax_enable_x64 else jnp.int32)
    beta = jnp.linspace(0.0001, 0.02, NUM_TIME_STEPS, dtype=jnp.float32)
    alpha = jnp.cumprod(1.0 - beta, axis=0)
    return {"t": t, "beta": beta, "alpha": alpha}

def reference(t, beta, alpha):
    # Faithful translation of DDPM_Scheduler.forward: gather beta[t] and alpha_cumprod[t]
    beta_t = jnp.take(beta, t, axis=0)
    alpha_t = jnp.take(alpha, t, axis=0)
    return (beta_t, alpha_t)

if __name__ == "__main__":
    import jax
    _d = setup_inputs()
    print(jax.jit(kernel)(*tuple(_d.values())))

</pallas_src>

<mosaic_0001>
#map = affine_map<(d0, d1) -> (0)>
module attributes {stable_mosaic.version = 14 : i64} {
  func.func @_sc_gather_kernel(%arg0: i32, %arg1: i32, %arg2: memref<16384xi32, #tpu.memory_space<hbm>>, %arg3: memref<1000xf32, #tpu.memory_space<hbm>>, %arg4: memref<1000xf32, #tpu.memory_space<hbm>>, %arg5: memref<16384xf32, #tpu.memory_space<hbm>>, %arg6: memref<16384xf32, #tpu.memory_space<hbm>>, %arg7: memref<1024xi32, #tpu.memory_space<vmem>>, %arg8: memref<1000xf32, #tpu.memory_space<vmem>>, %arg9: memref<1000xf32, #tpu.memory_space<vmem>>, %arg10: memref<1024xf32, #tpu.memory_space<vmem>>, %arg11: memref<1024xf32, #tpu.memory_space<vmem>>, %arg12: memref<!tpu.dma_semaphore, #tpu.memory_space<semaphore_mem>>) attributes {dimension_semantics = [#tpu.dimension_semantics<core_parallel>, #tpu.dimension_semantics<subcore_parallel>], iteration_bounds = array<i64: 1, 16>, scalar_prefetch = 0 : i64, scratch_operands = 6 : i64, tpu.core_type = #tpu.core_type<sc_vector_subcore>, window_params = [{transform_indices = #map}, {transform_indices = #map}, {transform_indices = #map}, {transform_indices = #map}, {transform_indices = #map}]} {
    %mul3A = arith.constant 1024 : i32
    %mul3A_0 = arith.muli %arg1, %mul3A : i32
    %dma_start3A = tpu.memref_slice %arg2[%mul3A_0] : memref<16384xi32, #tpu.memory_space<hbm>> -> memref<1024xi32, #tpu.memory_space<hbm>>
    %dma_start3A_1 = tpu.memref_slice %arg2[%mul3A_0] : memref<16384xi32, #tpu.memory_space<hbm>> -> memref<1024xi32, #tpu.memory_space<hbm>>
    tpu.enqueue_dma source(%dma_start3A_1 : memref<1024xi32, #tpu.memory_space<hbm>>) target(%arg7 : memref<1024xi32, #tpu.memory_space<vmem>>) target_semaphore(%arg12 : memref<!tpu.dma_semaphore, #tpu.memory_space<semaphore_mem>>)
    tpu.enqueue_dma source(%arg3 : memref<1000xf32, #tpu.memory_space<hbm>>) target(%arg8 : memref<1000xf32, #tpu.memory_space<vmem>>) target_semaphore(%arg12 : memref<!tpu.dma_semaphore, #tpu.memory_space<semaphore_mem>>)
    tpu.enqueue_dma source(%arg4 : memref<1000xf32, #tpu.memory_space<hbm>>) target(%arg9 : memref<1000xf32, #tpu.memory_space<vmem>>) target_semaphore(%arg12 : memref<!tpu.dma_semaphore, #tpu.memory_space<semaphore_mem>>)
    %dma_wait3A = tpu.memref_slice %arg2[%mul3A_0] : memref<16384xi32, #tpu.memory_space<hbm>> -> memref<1024xi32, #tpu.memory_space<hbm>>
    %dma_wait3A_2 = tpu.memref_slice %arg2[%mul3A_0] : memref<16384xi32, #tpu.memory_space<hbm>> -> memref<1024xi32, #tpu.memory_space<hbm>>
    tpu.wait_dma2 semaphore(%arg12 : memref<!tpu.dma_semaphore, #tpu.memory_space<semaphore_mem>>) src(%dma_wait3A_2 : memref<1024xi32, #tpu.memory_space<hbm>>) dst(%arg7 : memref<1024xi32, #tpu.memory_space<vmem>>)
    tpu.wait_dma2 semaphore(%arg12 : memref<!tpu.dma_semaphore, #tpu.memory_space<semaphore_mem>>) src(%arg3 : memref<1000xf32, #tpu.memory_space<hbm>>) dst(%arg8 : memref<1000xf32, #tpu.memory_space<vmem>>)
    tpu.wait_dma2 semaphore(%arg12 : memref<!tpu.dma_semaphore, #tpu.memory_space<semaphore_mem>>) src(%arg4 : memref<1000xf32, #tpu.memory_space<hbm>>) dst(%arg9 : memref<1000xf32, #tpu.memory_space<vmem>>)
    %get3A = arith.constant 0 : index
    %get3A_3 = tpu.vector_load %arg7[%get3A] {strides = array<i32>} : memref<1024xi32, #tpu.memory_space<vmem>>, vector<16xi32>,
    %gather3A = tpu.vector_load_idx %arg8[%get3A_3] : memref<1000xf32, #tpu.memory_space<vmem>>[vector<16xi32>], vector<16xf32>,
    %swap3A = arith.constant 0 : index
    %swap3A_4 = tpu.vector_load %arg10[%swap3A] {strides = array<i32>} : memref<1024xf32, #tpu.memory_space<vmem>>, vector<16xf32>,
    tpu.vector_store %arg10[%swap3A], %gather3A {strides = array<i32>} : memref<1024xf32, #tpu.memory_space<vmem>>, vector<16xf32>,
    %get3A_5 = arith.constant 16 : index
    %get3A_6 = tpu.vector_load %arg7[%get3A_5] {strides = array<i32>} : memref<1024xi32, #tpu.memory_space<vmem>>, vector<16xi32>,
    %gather3A_7 = tpu.vector_load_idx %arg8[%get3A_6] : memref<1000xf32, #tpu.memory_space<vmem>>[vector<16xi32>], vector<16xf32>,
    %swap3A_8 = arith.constant 16 : index
    %swap3A_9 = tpu.vector_load %arg10[%swap3A_8] {strides = array<i32>} : memref<1024xf32, #tpu.memory_space<vmem>>, vector<16xf32>,
    tpu.vector_store %arg10[%swap3A_8], %gather3A_7 {strides = array<i32>} : memref<1024xf32, #tpu.memory_space<vmem>>, vector<16xf32>,
    %get3A_10 = arith.constant 32 : index
    %get3A_11 = tpu.vector_load %arg7[%get3A_10] {strides = array<i32>} : memref<1024xi32, #tpu.memory_space<vmem>>, vector<16xi32>,
    %gather3A_12 = tpu.vector_load_idx %arg8[%get3A_11] : memref<1000xf32, #tpu.memory_space<vmem>>[vector<16xi32>], vector<16xf32>,
    %swap3A_13 = arith.constant 32 : index
    %swap3A_14 = tpu.vector_load %arg10[%swap3A_13] {strides = array<i32>} : memref<1024xf32, #tpu.memory_space<vmem>>, vector<16xf32>,
    tpu.vector_store %arg10[%swap3A_13], %gather3A_12 {strides = array<i32>} : memref<1024xf32, #tpu.memory_space<vmem>>, vector<16xf32>,
    %get3A_15 = arith.constant 48 : index
    %get3A_16 = tpu.vector_load %arg7[%get3A_15] {strides = array<i32>} : memref<1024xi32, #tpu.memory_space<vmem>>, vector<16xi32>,
    %gather3A_17 = tpu.vector_load_idx %arg8[%get3A_16] : memref<1000xf32, #tpu.memory_space<vmem>>[vector<16xi32>], vector<16xf32>,
    %swap3A_18 = arith.constant 48 : index
    %swap3A_19 = tpu.vector_load %arg10[%swap3A_18] {strides = array<i32>} : memref<1024xf32, #tpu.memory_space<vmem>>, vector<16xf32>,
    tpu.vector_store %arg10[%swap3A_18], %gather3A_17 {strides = array<i32>} : memref<1024xf32, #tpu.memory_space<vmem>>, vector<16xf32>,
    %get3A_20 = arith.constant 64 : index
    %get3A_21 = tpu.vector_load %arg7[%get3A_20] {strides = array<i32>} : memref<1024xi32, #tpu.memory_space<vmem>>, vector<16xi32>,
    %gather3A_22 = tpu.vector_load_idx %arg8[%get3A_21] : memref<1000xf32, #tpu.memory_space<vmem>>[vector<16xi32>], vector<16xf32>,
    %swap3A_23 = arith.constant 64 : index
    %swap3A_24 = tpu.vector_load %arg10[%swap3A_23] {strides = array<i32>} : memref<1024xf32, #tpu.memory_space<vmem>>, vector<16xf32>,
    tpu.vector_store %arg10[%swap3A_23], %gather3A_22 {strides = array<i32>} : memref<1024xf32, #tpu.memory_space<vmem>>, vector<16xf32>,
    %get3A_25 = arith.constant 80 : index
    %get3A_26 = tpu.vector_load %arg7[%get3A_25] {strides = array<i32>} : memref<1024xi32, #tpu.memory_space<vmem>>, vector<16xi32>,
    %gather3A_27 = tpu.vector_load_idx %arg8[%get3A_26] : memref<1000xf32, #tpu.memory_space<vmem>>[vector<16xi32>], vector<16xf32>,
    %swap3A_28 = arith.constant 80 : index
    %swap3A_29 = tpu.vector_load %arg10[%swap3A_28] {strides = array<i32>} : memref<1024xf32, #tpu.memory_space<vmem>>, vector<16xf32>,
    tpu.vector_store %arg10[%swap3A_28], %gather3A_27 {strides = array<i32>} : memref<1024xf32, #tpu.memory_space<vmem>>, vector<16xf32>,
    %get3A_30 = arith.constant 96 : index
    %get3A_31 = tpu.vector_load %arg7[%get3A_30] {strides = array<i32>} : memref<1024xi32, #tpu.memory_space<vmem>>, vector<16xi32>,
    %gather3A_32 = tpu.vector_load_idx %arg8[%get3A_31] : memref<1000xf32, #tpu.memory_space<vmem>>[vector<16xi32>], vector<16xf32>,
    %swap3A_33 = arith.constant 96 : index
    %swap3A_34 = tpu.vector_load %arg10[%swap3A_33] {strides = array<i32>} : memref<1024xf32, #tpu.memory_space<vmem>>, vector<16xf32>,
    tpu.vector_store %arg10[%swap3A_33], %gather3A_32 {strides = array<i32>} : memref<1024xf32, #tpu.memory_space<vmem>>, vector<16xf32>,
    %get3A_35 = arith.constant 112 : index
    %get3A_36 = tpu.vector_load %arg7[%get3A_35] {strides = array<i32>} : memref<1024xi32, #tpu.memory_space<vmem>>, vector<16xi32>,
    %gather3A_37 = tpu.vector_load_idx %arg8[%get3A_36] : memref<1000xf32, #tpu.memory_space<vmem>>[vector<16xi32>], vector<16xf32>,
    %swap3A_38 = arith.constant 112 : index
    %swap3A_39 = tpu.vector_load %arg10[%swap3A_38] {strides = array<i32>} : memref<1024xf32, #tpu.memory_space<vmem>>, vector<16xf32>,
    tpu.vector_store %arg10[%swap3A_38], %gather3A_37 {strides = array<i32>} : memref<1024xf32, #tpu.memory_space<vmem>>, vector<16xf32>,
    %get3A_40 = arith.constant 128 : index
    %get3A_41 = tpu.vector_load %arg7[%get3A_40] {strides = array<i32>} : memref<1024xi32, #tpu.memory_space<vmem>>, vector<16xi32>,
    %gather3A_42 = tpu.vector_load_idx %arg8[%get3A_41] : memref<1000xf32, #tpu.memory_space<vmem>>[vector<16xi32>], vector<16xf32>,
    %swap3A_43 = arith.constant 128 : index
    %swap3A_44 = tpu.vector_load %arg10[%swap3A_43] {strides = array<i32>} : memref<1024xf32, #tpu.memory_space<vmem>>, vector<16xf32>,
    tpu.vector_store %arg10[%swap3A_43], %gather3A_42 {strides = array<i32>} : memref<1024xf32, #tpu.memory_space<vmem>>, vector<16xf32>,
    %get3A_45 = arith.constant 144 : index
    %get3A_46 = tpu.vector_load %arg7[%get3A_45] {strides = array<i32>} : memref<1024xi32, #tpu.memory_space<vmem>>, vector<16xi32>,
    %gather3A_47 = tpu.vector_load_idx %arg8[%get3A_46] : memref<1000xf32, #tpu.memory_space<vmem>>[vector<16xi32>], vector<16xf32>,
    %swap3A_48 = arith.constant 144 : index
    %swap3A_49 = tpu.vector_load %arg10[%swap3A_48] {strides = array<i32>} : memref<1024xf32, #tpu.memory_space<vmem>>, vector<16xf32>,
    tpu.vector_store %arg10[%swap3A_48], %gather3A_47 {strides = array<i32>} : memref<1024xf32, #tpu.memory_space<vmem>>, vector<16xf32>,
    %get3A_50 = arith.constant 160 : index
    %get3A_51 = tpu.vector_load %arg7[%get3A_50] {strides = array<i32>} : memref<1024xi32, #tpu.memory_space<vmem>>, vector<16xi32>,
    %gather3A_52 = tpu.vector_load_idx %arg8[%get3A_51] : memref<1000xf32, #tpu.memory_space<vmem>>[vector<16xi32>], vector<16xf32>,
    %swap3A_53 = arith.constant 160 : index
    %swap3A_54 = tpu.vector_load %arg10[%swap3A_53] {strides = array<i32>} : memref<1024xf32, #tpu.memory_space<vmem>>, vector<16xf32>,
    tpu.vector_store %arg10[%swap3A_53], %gather3A_52 {strides = array<i32>} : memref<1024xf32, #tpu.memory_space<vmem>>, vector<16xf32>,
    %get3A_55 = arith.constant 176 : index
    %get3A_56 = tpu.vector_load %arg7[%get3A_55] {strides = array<i32>} : memref<1024xi32, #tpu.memory_space<vmem>>, vector<16xi32>,
    %gather3A_57 = tpu.vector_load_idx %arg8[%get3A_56] : memref<1000xf32, #tpu.memory_space<vmem>>[vector<16xi32>], vector<16xf32>,
    %swap3A_58 = arith.constant 176 : index
    %swap3A_59 = tpu.vector_load %arg10[%swap3A_58] {strides = array<i32>} : memref<1024xf32, #tpu.memory_space<vmem>>, vector<16xf32>,
    tpu.vector_store %arg10[%swap3A_58], %gather3A_57 {strides = array<i32>} : memref<1024xf32, #tpu.memory_space<vmem>>, vector<16xf32>,
    %get3A_60 = arith.constant 192 : index
    %get3A_61 = tpu.vector_load %arg7[%get3A_60] {strides = array<i32>} : memref<1024xi32, #tpu.memory_space<vmem>>, vector<16xi32>,
    %gather3A_62 = tpu.vector_load_idx %arg8[%get3A_61] : memref<1000xf32, #tpu.memory_space<vmem>>[vector<16xi32>], vector<16xf32>,
    %swap3A_63 = arith.constant 192 : index
    %swap3A_64 = tpu.vector_load %arg10[%swap3A_63] {strides = array<i32>} : memref<1024xf32, #tpu.memory_space<vmem>>, vector<16xf32>,
    tpu.vector_store %arg10[%swap3A_63], %gather3A_62 {strides = array<i32>} : memref<1024xf32, #tpu.memory_space<vmem>>, vector<16xf32>,
    %get3A_65 = arith.constant 208 : index
    %get3A_66 = tpu.vector_load %arg7[%get3A_65] {strides = array<i32>} : memref<1024xi32, #tpu.memory_space<vmem>>, vector<16xi32>,
    %gather3A_67 = tpu.vector_load_idx %arg8[%get3A_66] : memref<1000xf32, #tpu.memory_space<vmem>>[vector<16xi32>], vector<16xf32>,
    %swap3A_68 = arith.constant 208 : index
    %swap3A_69 = tpu.vector_load %arg10[%swap3A_68] {strides = array<i32>} : memref<1024xf32, #tpu.memory_space<vmem>>, vector<16xf32>,
    tpu.vector_store %arg10[%swap3A_68], %gather3A_67 {strides = array<i32>} : memref<1024xf32, #tpu.memory_space<vmem>>, vector<16xf32>,
    %get3A_70 = arith.constant 224 : index
    %get3A_71 = tpu.vector_load %arg7[%get3A_70] {strides = array<i32>} : memref<1024xi32, #tpu.memory_space<vmem>>, vector<16xi32>,
    %gather3A_72 = tpu.vector_load_idx %arg8[%get3A_71] : memref<1000xf32, #tpu.memory_space<vmem>>[vector<16xi32>], vector<16xf32>,
    %swap3A_73 = arith.constant 224 : index
    %swap3A_74 = tpu.vector_load %arg10[%swap3A_73] {strides = array<i32>} : memref<1024xf32, #tpu.memory_space<vmem>>, vector<16xf32>,
    tpu.vector_store %arg10[%swap3A_73], %gather3A_72 {strides = array<i32>} : memref<1024xf32, #tpu.memory_space<vmem>>, vector<16xf32>,
    %get3A_75 = arith.constant 240 : index
    %get3A_76 = tpu.vector_load %arg7[%get3A_75] {strides = array<i32>} : memref<1024xi32, #tpu.memory_space<vmem>>, vector<16xi32>,
    %gather3A_77 = tpu.vector_load_idx %arg8[%get3A_76] : memref<1000xf32, #tpu.memory_space<vmem>>[vector<16xi32>], vector<16xf32>,
    %swap3A_78 = arith.constant 240 : index
    %swap3A_79 = tpu.vector_load %arg10[%swap3A_78] {strides = array<i32>} : memref<1024xf32, #tpu.memory_space<vmem>>, vector<16xf32>,
    tpu.vector_store %arg10[%swap3A_78], %gather3A_77 {strides = array<i32>} : memref<1024xf32, #tpu.memory_space<vmem>>, vector<16xf32>,
    %get3A_80 = arith.constant 256 : index
    %get3A_81 = tpu.vector_load %arg7[%get3A_80] {strides = array<i32>} : memref<1024xi32, #tpu.memory_space<vmem>>, vector<16xi32>,
    %gather3A_82 = tpu.vector_load_idx %arg8[%get3A_81] : memref<1000xf32, #tpu.memory_space<vmem>>[vector<16xi32>], vector<16xf32>,
    %swap3A_83 = arith.constant 256 : index
    %swap3A_84 = tpu.vector_load %arg10[%swap3A_83] {strides = array<i32>} : memref<1024xf32, #tpu.memory_space<vmem>>, vector<16xf32>,
    tpu.vector_store %arg10[%swap3A_83], %gather3A_82 {strides = array<i32>} : memref<1024xf32, #tpu.memory_space<vmem>>, vector<16xf32>,
    %get3A_85 = arith.constant 272 : index
    %get3A_86 = tpu.vector_load %arg7[%get3A_85] {strides = array<i32>} : memref<1024xi32, #tpu.memory_space<vmem>>, vector<16xi32>,
    %gather3A_87 = tpu.vector_load_idx %arg8[%get3A_86] : memref<1000xf32, #tpu.memory_space<vmem>>[vector<16xi32>], vector<16xf32>,
    %swap3A_88 = arith.constant 272 : index
    %swap3A_89 = tpu.vector_load %arg10[%swap3A_88] {strides = array<i32>} : memref<1024xf32, #tpu.memory_space<vmem>>, vector<16xf32>,
    tpu.vector_store %arg10[%swap3A_88], %gather3A_87 {strides = array<i32>} : memref<1024xf32, #tpu.memory_space<vmem>>, vector<16xf32>,
    %get3A_90 = arith.constant 288 : index
    %get3A_91 = tpu.vector_load %arg7[%get3A_90] {strides = array<i32>} : memref<1024xi32, #tpu.memory_space<vmem>>, vector<16xi32>,
    %gather3A_92 = tpu.vector_load_idx %arg8[%get3A_91] : memref<1000xf32, #tpu.memory_space<vmem>>[vector<16xi32>], vector<16xf32>,
    %swap3A_93 = arith.constant 288 : index
    %swap3A_94 = tpu.vector_load %arg10[%swap3A_93] {strides = array<i32>} : memref<1024xf32, #tpu.memory_space<vmem>>, vector<16xf32>,
    tpu.vector_store %arg10[%swap3A_93], %gather3A_92 {strides = array<i32>} : memref<1024xf32, #tpu.memory_space<vmem>>, vector<16xf32>,
    %get3A_95 = arith.constant 304 : index
    %get3A_96 = tpu.vector_load %arg7[%get3A_95] {strides = array<i32>} : memref<1024xi32, #tpu.memory_space<vmem>>, vector<16xi32>,
    %gather3A_97 = tpu.vector_load_idx %arg8[%get3A_96] : memref<1000xf32, #tpu.memory_space<vmem>>[vector<16xi32>], vector<16xf32>,
    %swap3A_98 = arith.constant 304 : index
    %swap3A_99 = tpu.vector_load %arg10[%swap3A_98] {strides = array<i32>} : memref<1024xf32, #tpu.memory_space<vmem>>, vector<16xf32>,
    tpu.vector_store %arg10[%swap3A_98], %gather3A_97 {strides = array<i32>} : memref<1024xf32, #tpu.memory_space<vmem>>, vector<16xf32>,
    %get3A_100 = arith.constant 320 : index
    %get3A_101 = tpu.vector_load %arg7[%get3A_100] {strides = array<i32>} : memref<1024xi32, #tpu.memory_space<vmem>>, vector<16xi32>,
    %gather3A_102 = tpu.vector_load_idx %arg8[%get3A_101] : memref<1000xf32, #tpu.memory_space<vmem>>[vector<16xi32>], vector<16xf32>,
    %swap3A_103 = arith.constant 320 : index
    %swap3A_104 = tpu.vector_load %arg10[%swap3A_103] {strides = array<i32>} : memref<1024xf32, #tpu.memory_space<vmem>>, vector<16xf32>,
    tpu.vector_store %arg10[%swap3A_103], %gather3A_102 {strides = array<i32>} : memref<1024xf32, #tpu.memory_space<vmem>>, vector<16xf32>,
    %get3A_105 = arith.constant 336 : index
    %get3A_106 = tpu.vector_load %arg7[%get3A_105] {strides = array<i32>} : memref<1024xi32, #tpu.memory_space<vmem>>, vector<16xi32>,
    %gather3A_107 = tpu.vector_load_idx %arg8[%get3A_106] : memref<1000xf32, #tpu.memory_space<vmem>>[vector<16xi32>], vector<16xf32>,
    %swap3A_108 = arith.constant 336 : index
    %swap3A_109 = tpu.vector_load %arg10[%swap3A_108] {strides = array<i32>} : memref<1024xf32, #tpu.memory_space<vmem>>, vector<16xf32>,
    tpu.vector_store %arg10[%swap3A_108], %gather3A_107 {strides = array<i32>} : memref<1024xf32, #tpu.memory_space<vmem>>, vector<16xf32>,
    %get3A_110 = arith.constant 352 : index
    %get3A_111 = tpu.vector_load %arg7[%get3A_110] {strides = array<i32>} : memref<1024xi32, #tpu.memory_space<vmem>>, vector<16xi32>,
    %gather3A_112 = tpu.vector_load_idx %arg8[%get3A_111] : memref<1000xf32, #tpu.memory_space<vmem>>[vector<16xi32>], vector<16xf32>,
    %swap3A_113 = arith.constant 352 : index
    %swap3A_114 = tpu.vector_load %arg10[%swap3A_113] {strides = array<i32>} : memref<1024xf32, #tpu.memory_space<vmem>>, vector<16xf32>,
    tpu.vector_store %arg10[%swap3A_113], %gather3A_112 {strides = array<i32>} : memref<1024xf32, #tpu.memory_space<vmem>>, vector<16xf32>,
    %get3A_115 = arith.constant 368 : index
    %get3A_116 = tpu.vector_load %arg7[%get3A_115] {strides = array<i32>} : memref<1024xi32, #tpu.memory_space<vmem>>, vector<16xi32>,
    %gather3A_117 = tpu.vector_load_idx %arg8[%get3A_116] : memref<1000xf32, #tpu.memory_space<vmem>>[vector<16xi32>], vector<16xf32>,
    %swap3A_118 = arith.constant 368 : index
    %swap3A_119 = tpu.vector_load %arg10[%swap3A_118] {strides = array<i32>} : memref<1024xf32, #tpu.memory_space<vmem>>, vector<16xf32>,
    tpu.vector_store %arg10[%swap3A_118], %gather3A_117 {strides = array<i32>} : memref<1024xf32, #tpu.memory_space<vmem>>, vector<16xf32>,
    %get3A_120 = arith.constant 384 : index
    %get3A_121 = tpu.vector_load %arg7[%get3A_120] {strides = array<i32>} : memref<1024xi32, #tpu.memory_space<vmem>>, vector<16xi32>,
    %gather3A_122 = tpu.vector_load_idx %arg8[%get3A_121] : memref<1000xf32, #tpu.memory_space<vmem>>[vector<16xi32>], vector<16xf32>,
    %swap3A_123 = arith.constant 384 : index
    %swap3A_124 = tpu.vector_load %arg10[%swap3A_123] {strides = array<i32>} : memref<1024xf32, #tpu.memory_space<vmem>>, vector<16xf32>,
    tpu.vector_store %arg10[%swap3A_123], %gather3A_122 {strides = array<i32>} : memref<1024xf32, #tpu.memory_space<vmem>>, vector<16xf32>,
    %get3A_125 = arith.constant 400 : index
    %get3A_126 = tpu.vector_load %arg7[%get3A_125] {strides = array<i32>} : memref<1024xi32, #tpu.memory_space<vmem>>, vector<16xi32>,
    %gather3A_127 = tpu.vector_load_idx %arg8[%get3A_126] : memref<1000xf32, #tpu.memory_space<vmem>>[vector<16xi32>], vector<16xf32>,
    %swap3A_128 = arith.constant 400 : index
    %swap3A_129 = tpu.vector_load %arg10[%swap3A_128] {strides = array<i32>} : memref<1024xf32, #tpu.memory_space<vmem>>, vector<16xf32>,
    tpu.vector_store %arg10[%swap3A_128], %gather3A_127 {strides = array<i32>} : memref<1024xf32, #tpu.memory_space<vmem>>, vector<16xf32>,
    %get3A_130 = arith.constant 416 : index
    %get3A_131 = tpu.vector_load %arg7[%get3A_130] {strides = array<i32>} : memref<1024xi32, #tpu.memory_space<vmem>>, vector<16xi32>,
    %gather3A_132 = tpu.vector_load_idx %arg8[%get3A_131] : memref<1000xf32, #tpu.memory_space<vmem>>[vector<16xi32>], vector<16xf32>,
    %swap3A_133 = arith.constant 416 : index
    %swap3A_134 = tpu.vector_load %arg10[%swap3A_133] {strides = array<i32>} : memref<1024xf32, #tpu.memory_space<vmem>>, vector<16xf32>,
    tpu.vector_store %arg10[%swap3A_133], %gather3A_132 {strides = array<i32>} : memref<1024xf32, #tpu.memory_space<vmem>>, vector<16xf32>,
    %get3A_135 = arith.constant 432 : index
    %get3A_136 = tpu.vector_load %arg7[%get3A_135] {strides = array<i32>} : memref<1024xi32, #tpu.memory_space<vmem>>, vector<16xi32>,
    %gather3A_137 = tpu.vector_load_idx %arg8[%get3A_136] : memref<1000xf32, #tpu.memory_space<vmem>>[vector<16xi32>], vector<16xf32>,
    %swap3A_138 = arith.constant 432 : index
    %swap3A_139 = tpu.vector_load %arg10[%swap3A_138] {strides = array<i32>} : memref<1024xf32, #tpu.memory_space<vmem>>, vector<16xf32>,
    tpu.vector_store %arg10[%swap3A_138], %gather3A_137 {strides = array<i32>} : memref<1024xf32, #tpu.memory_space<vmem>>, vector<16xf32>,
    %get3A_140 = arith.constant 448 : index
    %get3A_141 = tpu.vector_load %arg7[%get3A_140] {strides = array<i32>} : memref<1024xi32, #tpu.memory_space<vmem>>, vector<16xi32>,
    %gather3A_142 = tpu.vector_load_idx %arg8[%get3A_141] : memref<1000xf32, #tpu.memory_space<vmem>>[vector<16xi32>], vector<16xf32>,
    %swap3A_143 = arith.constant 448 : index
    %swap3A_144 = tpu.vector_load %arg10[%swap3A_143] {strides = array<i32>} : memref<1024xf32, #tpu.memory_space<vmem>>, vector<16xf32>,
    tpu.vector_store %arg10[%swap3A_143], %gather3A_142 {strides = array<i32>} : memref<1024xf32, #tpu.memory_space<vmem>>, vector<16xf32>,
    %get3A_145 = arith.constant 464 : index
    %get3A_146 = tpu.vector_load %arg7[%get3A_145] {strides = array<i32>} : memref<1024xi32, #tpu.memory_space<vmem>>, vector<16xi32>,
    %gather3A_147 = tpu.vector_load_idx %arg8[%get3A_146] : memref<1000xf32, #tpu.memory_space<vmem>>[vector<16xi32>], vector<16xf32>,
    %swap3A_148 = arith.constant 464 : index
    %swap3A_149 = tpu.vector_load %arg10[%swap3A_148] {strides = array<i32>} : memref<1024xf32, #tpu.memory_space<vmem>>, vector<16xf32>,
    tpu.vector_store %arg10[%swap3A_148], %gather3A_147 {strides = array<i32>} : memref<1024xf32, #tpu.memory_space<vmem>>, vector<16xf32>,
    %get3A_150 = arith.constant 480 : index
    %get3A_151 = tpu.vector_load %arg7[%get3A_150] {strides = array<i32>} : memref<1024xi32, #tpu.memory_space<vmem>>, vector<16xi32>,
    %gather3A_152 = tpu.vector_load_idx %arg8[%get3A_151] : memref<1000xf32, #tpu.memory_space<vmem>>[vector<16xi32>], vector<16xf32>,
    %swap3A_153 = arith.constant 480 : index
    %swap3A_154 = tpu.vector_load %arg10[%swap3A_153] {strides = array<i32>} : memref<1024xf32, #tpu.memory_space<vmem>>, vector<16xf32>,
    tpu.vector_store %arg10[%swap3A_153], %gather3A_152 {strides = array<i32>} : memref<1024xf32, #tpu.memory_space<vmem>>, vector<16xf32>,
    %get3A_155 = arith.constant 496 : index
    %get3A_156 = tpu.vector_load %arg7[%get3A_155] {strides = array<i32>} : memref<1024xi32, #tpu.memory_space<vmem>>, vector<16xi32>,
    %gather3A_157 = tpu.vector_load_idx %arg8[%get3A_156] : memref<1000xf32, #tpu.memory_space<vmem>>[vector<16xi32>], vector<16xf32>,
    %swap3A_158 = arith.constant 496 : index
    %swap3A_159 = tpu.vector_load %arg10[%swap3A_158] {strides = array<i32>} : memref<1024xf32, #tpu.memory_space<vmem>>, vector<16xf32>,
    tpu.vector_store %arg10[%swap3A_158], %gather3A_157 {strides = array<i32>} : memref<1024xf32, #tpu.memory_space<vmem>>, vector<16xf32>,
    %get3A_160 = arith.constant 512 : index
    %get3A_161 = tpu.vector_load %arg7[%get3A_160] {strides = array<i32>} : memref<1024xi32, #tpu.memory_space<vmem>>, vector<16xi32>,
    %gather3A_162 = tpu.vector_load_idx %arg8[%get3A_161] : memref<1000xf32, #tpu.memory_space<vmem>>[vector<16xi32>], vector<16xf32>,
    %swap3A_163 = arith.constant 512 : index
    %swap3A_164 = tpu.vector_load %arg10[%swap3A_163] {strides = array<i32>} : memref<1024xf32, #tpu.memory_space<vmem>>, vector<16xf32>,
    tpu.vector_store %arg10[%swap3A_163], %gather3A_162 {strides = array<i32>} : memref<1024xf32, #tpu.memory_space<vmem>>, vector<16xf32>,
    %get3A_165 = arith.constant 528 : index
    %get3A_166 = tpu.vector_load %arg7[%get3A_165] {strides = array<i32>} : memref<1024xi32, #tpu.memory_space<vmem>>, vector<16xi32>,
    %gather3A_167 = tpu.vector_load_idx %arg8[%get3A_166] : memref<1000xf32, #tpu.memory_space<vmem>>[vector<16xi32>], vector<16xf32>,
    %swap3A_168 = arith.constant 528 : index
    %swap3A_169 = tpu.vector_load %arg10[%swap3A_168] {strides = array<i32>} : memref<1024xf32, #tpu.memory_space<vmem>>, vector<16xf32>,
    tpu.vector_store %arg10[%swap3A_168], %gather3A_167 {strides = array<i32>} : memref<1024xf32, #tpu.memory_space<vmem>>, vector<16xf32>,
    %get3A_170 = arith.constant 544 : index
    %get3A_171 = tpu.vector_load %arg7[%get3A_170] {strides = array<i32>} : memref<1024xi32, #tpu.memory_space<vmem>>, vector<16xi32>,
    %gather3A_172 = tpu.vector_load_idx %arg8[%get3A_171] : memref<1000xf32, #tpu.memory_space<vmem>>[vector<16xi32>], vector<16xf32>,
    %swap3A_173 = arith.constant 544 : index
    %swap3A_174 = tpu.vector_load %arg10[%swap3A_173] {strides = array<i32>} : memref<1024xf32, #tpu.memory_space<vmem>>, vector<16xf32>,
    tpu.vector_store %arg10[%swap3A_173], %gather3A_172 {strides = array<i32>} : memref<1024xf32, #tpu.memory_space<vmem>>, vector<16xf32>,
    %get3A_175 = arith.constant 560 : index
    %get3A_176 = tpu.vector_load %arg7[%get3A_175] {strides = array<i32>} : memref<1024xi32, #tpu.memory_space<vmem>>, vector<16xi32>,
    %gather3A_177 = tpu.vector_load_idx %arg8[%get3A_176] : memref<1000xf32, #tpu.memory_space<vmem>>[vector<16xi32>], vector<16xf32>,
    %swap3A_178 = arith.constant 560 : index
    %swap3A_179 = tpu.vector_load %arg10[%swap3A_178] {strides = array<i32>} : memref<1024xf32, #tpu.memory_space<vmem>>, vector<16xf32>,
    tpu.vector_store %arg10[%swap3A_178], %gather3A_177 {strides = array<i32>} : memref<1024xf32, #tpu.memory_space<vmem>>, vector<16xf32>,
    %get3A_180 = arith.constant 576 : index
    %get3A_181 = tpu.vector_load %arg7[%get3A_180] {strides = array<i32>} : memref<1024xi32, #tpu.memory_space<vmem>>, vector<16xi32>,
    %gather3A_182 = tpu.vector_load_idx %arg8[%get3A_181] : memref<1000xf32, #tpu.memory_space<vmem>>[vector<16xi32>], vector<16xf32>,
    %swap3A_183 = arith.constant 576 : index
    %swap3A_184 = tpu.vector_load %arg10[%swap3A_183] {strides = array<i32>} : memref<1024xf32, #tpu.memory_space<vmem>>, vector<16xf32>,
    tpu.vector_store %arg10[%swap3A_183], %gather3A_182 {strides = array<i32>} : memref<1024xf32, #tpu.memory_space<vmem>>, vector<16xf32>,
    %get3A_185 = arith.constant 592 : index
    %get3A_186 = tpu.vector_load %arg7[%get3A_185] {strides = array<i32>} : memref<1024xi32, #tpu.memory_space<vmem>>, vector<16xi32>,
    %gather3A_187 = tpu.vector_load_idx %arg8[%get3A_186] : memref<1000xf32, #tpu.memory_space<vmem>>[vector<16xi32>], vector<16xf32>,
    %swap3A_188 = arith.constant 592 : index
    %swap3A_189 = tpu.vector_load %arg10[%swap3A_188] {strides = array<i32>} : memref<1024xf32, #tpu.memory_space<vmem>>, vector<16xf32>,
    tpu.vector_store %arg10[%swap3A_188], %gather3A_187 {strides = array<i32>} : memref<1024xf32, #tpu.memory_space<vmem>>, vector<16xf32>,
    %get3A_190 = arith.constant 608 : index
    %get3A_191 = tpu.vector_load %arg7[%get3A_190] {strides = array<i32>} : memref<1024xi32, #tpu.memory_space<vmem>>, vector<16xi32>,
    %gather3A_192 = tpu.vector_load_idx %arg8[%get3A_191] : memref<1000xf32, #tpu.memory_space<vmem>>[vector<16xi32>], vector<16xf32>,
    %swap3A_193 = arith.constant 608 : index
    %swap3A_194 = tpu.vector_load %arg10[%swap3A_193] {strides = array<i32>} : memref<1024xf32, #tpu.memory_space<vmem>>, vector<16xf32>,
    tpu.vector_store %arg10[%swap3A_193], %gather3A_192 {strides = array<i32>} : memref<1024xf32, #tpu.memory_space<vmem>>, vector<16xf32>,
    %get3A_195 = arith.constant 624 : index
    %get3A_196 = tpu.vector_load %arg7[%get3A_195] {strides = array<i32>} : memref<1024xi32, #tpu.memory_space<vmem>>, vector<16xi32>,
    %gather3A_197 = tpu.vector_load_idx %arg8[%get3A_196] : memref<1000xf32, #tpu.memory_space<vmem>>[vector<16xi32>], vector<16xf32>,
    %swap3A_198 = arith.constant 624 : index
    %swap3A_199 = tpu.vector_load %arg10[%swap3A_198] {strides = array<i32>} : memref<1024xf32, #tpu.memory_space<vmem>>, vector<16xf32>,
    tpu.vector_store %arg10[%swap3A_198], %gather3A_197 {strides = array<i32>} : memref<1024xf32, #tpu.memory_space<vmem>>, vector<16xf32>,
    %get3A_200 = arith.constant 640 : index
    %get3A_201 = tpu.vector_load %arg7[%get3A_200] {strides = array<i32>} : memref<1024xi32, #tpu.memory_space<vmem>>, vector<16xi32>,
    %gather3A_202 = tpu.vector_load_idx %arg8[%get3A_201] : memref<1000xf32, #tpu.memory_space<vmem>>[vector<16xi32>], vector<16xf32>,
    %swap3A_203 = arith.constant 640 : index
    %swap3A_204 = tpu.vector_load %arg10[%swap3A_203] {strides = array<i32>} : memref<1024xf32, #tpu.memory_space<vmem>>, vector<16xf32>,
    tpu.vector_store %arg10[%swap3A_203], %gather3A_202 {strides = array<i32>} : memref<1024xf32, #tpu.memory_space<vmem>>, vector<16xf32>,
    %get3A_205 = arith.constant 656 : index
    %get3A_206 = tpu.vector_load %arg7[%get3A_205] {strides = array<i32>} : memref<1024xi32, #tpu.memory_space<vmem>>, vector<16xi32>,
    %gather3A_207 = tpu.vector_load_idx %arg8[%get3A_206] : memref<1000xf32, #tpu.memory_space<vmem>>[vector<16xi32>], vector<16xf32>,
    %swap3A_208 = arith.constant 656 : index
    %swap3A_209 = tpu.vector_load %arg10[%swap3A_208] {strides = array<i32>} : memref<1024xf32, #tpu.memory_space<vmem>>, vector<16xf32>,
    tpu.vector_store %arg10[%swap3A_208], %gather3A_207 {strides = array<i32>} : memref<1024xf32, #tpu.memory_space<vmem>>, vector<16xf32>,
    %get3A_210 = arith.constant 672 : index
    %get3A_211 = tpu.vector_load %arg7[%get3A_210] {strides = array<i32>} : memref<1024xi32, #tpu.memory_space<vmem>>, vector<16xi32>,
    %gather3A_212 = tpu.vector_load_idx %arg8[%get3A_211] : memref<1000xf32, #tpu.memory_space<vmem>>[vector<16xi32>], vector<16xf32>,
    %swap3A_213 = arith.constant 672 : index
    %swap3A_214 = tpu.vector_load %arg10[%swap3A_213] {strides = array<i32>} : memref<1024xf32, #tpu.memory_space<vmem>>, vector<16xf32>,
    tpu.vector_store %arg10[%swap3A_213], %gather3A_212 {strides = array<i32>} : memref<1024xf32, #tpu.memory_space<vmem>>, vector<16xf32>,
    %get3A_215 = arith.constant 688 : index
    %get3A_216 = tpu.vector_load %arg7[%get3A_215] {strides = array<i32>} : memref<1024xi32, #tpu.memory_space<vmem>>, vector<16xi32>,
    %gather3A_217 = tpu.vector_load_idx %arg8[%get3A_216] : memref<1000xf32, #tpu.memory_space<vmem>>[vector<16xi32>], vector<16xf32>,
    %swap3A_218 = arith.constant 688 : index
    %swap3A_219 = tpu.vector_load %arg10[%swap3A_218] {strides = array<i32>} : memref<1024xf32, #tpu.memory_space<vmem>>, vector<16xf32>,
    tpu.vector_store %arg10[%swap3A_218], %gather3A_217 {strides = array<i32>} : memref<1024xf32, #tpu.memory_space<vmem>>, vector<16xf32>,
    %get3A_220 = arith.constant 704 : index
    %get3A_221 = tpu.vector_load %arg7[%get3A_220] {strides = array<i32>} : memref<1024xi32, #tpu.memory_space<vmem>>, vector<16xi32>,
    %gather3A_222 = tpu.vector_load_idx %arg8[%get3A_221] : memref<1000xf32, #tpu.memory_space<vmem>>[vector<16xi32>], vector<16xf32>,
    %swap3A_223 = arith.constant 704 : index
    %swap3A_224 = tpu.vector_load %arg10[%swap3A_223] {strides = array<i32>} : memref<1024xf32, #tpu.memory_space<vmem>>, vector<16xf32>,
    tpu.vector_store %arg10[%swap3A_223], %gather3A_222 {strides = array<i32>} : memref<1024xf32, #tpu.memory_space<vmem>>, vector<16xf32>,
    %get3A_225 = arith.constant 720 : index
    %get3A_226 = tpu.vector_load %arg7[%get3A_225] {strides = array<i32>} : memref<1024xi32, #tpu.memory_space<vmem>>, vector<16xi32>,
    %gather3A_227 = tpu.vector_load_idx %arg8[%get3A_226] : memref<1000xf32, #tpu.memory_space<vmem>>[vector<16xi32>], vector<16xf32>,
    %swap3A_228 = arith.constant 720 : index
    %swap3A_229 = tpu.vector_load %arg10[%swap3A_228] {strides = array<i32>} : memref<1024xf32, #tpu.memory_space<vmem>>, vector<16xf32>,
    tpu.vector_store %arg10[%swap3A_228], %gather3A_227 {strides = array<i32>} : memref<1024xf32, #tpu.memory_space<vmem>>, vector<16xf32>,
    %get3A_230 = arith.constant 736 : index
    %get3A_231 = tpu.vector_load %arg7[%get3A_230] {strides = array<i32>} : memref<1024xi32, #tpu.memory_space<vmem>>, vector<16xi32>,
    %gather3A_232 = tpu.vector_load_idx %arg8[%get3A_231] : memref<1000xf32, #tpu.memory_space<vmem>>[vector<16xi32>], vector<16xf32>,
    %swap3A_233 = arith.constant 736 : index
    %swap3A_234 = tpu.vector_load %arg10[%swap3A_233] {strides = array<i32>} : memref<1024xf32, #tpu.memory_space<vmem>>, vector<16xf32>,
    tpu.vector_store %arg10[%swap3A_233], %gather3A_232 {strides = array<i32>} : memref<1024xf32, #tpu.memory_space<vmem>>, vector<16xf32>,
    %get3A_235 = arith.constant 752 : index
    %get3A_236 = tpu.vector_load %arg7[%get3A_235] {strides = array<i32>} : memref<1024xi32, #tpu.memory_space<vmem>>, vector<16xi32>,
    %gather3A_237 = tpu.vector_load_idx %arg8[%get3A_236] : memref<1000xf32, #tpu.memory_space<vmem>>[vector<16xi32>], vector<16xf32>,
    %swap3A_238 = arith.constant 752 : index
    %swap3A_239 = tpu.vector_load %arg10[%swap3A_238] {strides = array<i32>} : memref<1024xf32, #tpu.memory_space<vmem>>, vector<16xf32>,
    tpu.vector_store %arg10[%swap3A_238], %gather3A_237 {strides = array<i32>} : memref<1024xf32, #tpu.memory_space<vmem>>, vector<16xf32>,
    %get3A_240 = arith.constant 768 : index
    %get3A_241 = tpu.vector_load %arg7[%get3A_240] {strides = array<i32>} : memref<1024xi32, #tpu.memory_space<vmem>>, vector<16xi32>,
    %gather3A_242 = tpu.vector_load_idx %arg8[%get3A_241] : memref<1000xf32, #tpu.memory_space<vmem>>[vector<16xi32>], vector<16xf32>,
    %swap3A_243 = arith.constant 768 : index
    %swap3A_244 = tpu.vector_load %arg10[%swap3A_243] {strides = array<i32>} : memref<1024xf32, #tpu.memory_space<vmem>>, vector<16xf32>,
    tpu.vector_store %arg10[%swap3A_243], %gather3A_242 {strides = array<i32>} : memref<1024xf32, #tpu.memory_space<vmem>>, vector<16xf32>,
    %get3A_245 = arith.constant 784 : index
    %get3A_246 = tpu.vector_load %arg7[%get3A_245] {strides = array<i32>} : memref<1024xi32, #tpu.memory_space<vmem>>, vector<16xi32>,
    %gather3A_247 = tpu.vector_load_idx %arg8[%get3A_246] : memref<1000xf32, #tpu.memory_space<vmem>>[vector<16xi32>], vector<16xf32>,
    %swap3A_248 = arith.constant 784 : index
    %swap3A_249 = tpu.vector_load %arg10[%swap3A_248] {strides = array<i32>} : memref<1024xf32, #tpu.memory_space<vmem>>, vector<16xf32>,
    tpu.vector_store %arg10[%swap3A_248], %gather3A_247 {strides = array<i32>} : memref<1024xf32, #tpu.memory_space<vmem>>, vector<16xf32>,
    %get3A_250 = arith.constant 800 : index
    %get3A_251 = tpu.vector_load %arg7[%get3A_250] {strides = array<i32>} : memref<1024xi32, #tpu.memory_space<vmem>>, vector<16xi32>,
    %gather3A_252 = tpu.vector_load_idx %arg8[%get3A_251] : memref<1000xf32, #tpu.memory_space<vmem>>[vector<16xi32>], vector<16xf32>,
    %swap3A_253 = arith.constant 800 : index
    %swap3A_254 = tpu.vector_load %arg10[%swap3A_253] {strides = array<i32>} : memref<1024xf32, #tpu.memory_space<vmem>>, vector<16xf32>,
    tpu.vector_store %arg10[%swap3A_253], %gather3A_252 {strides = array<i32>} : memref<1024xf32, #tpu.memory_space<vmem>>, vector<16xf32>,
    %get3A_255 = arith.constant 816 : index
    %get3A_256 = tpu.vector_load %arg7[%get3A_255] {strides = array<i32>} : memref<1024xi32, #tpu.memory_space<vmem>>, vector<16xi32>,
    %gather3A_257 = tpu.vector_load_idx %arg8[%get3A_256] : memref<1000xf32, #tpu.memory_space<vmem>>[vector<16xi32>], vector<16xf32>,
    %swap3A_258 = arith.constant 816 : index
    %swap3A_259 = tpu.vector_load %arg10[%swap3A_258] {strides = array<i32>} : memref<1024xf32, #tpu.memory_space<vmem>>, vector<16xf32>,
    tpu.vector_store %arg10[%swap3A_258], %gather3A_257 {strides = array<i32>} : memref<1024xf32, #tpu.memory_space<vmem>>, vector<16xf32>,
    %get3A_260 = arith.constant 832 : index
    %get3A_261 = tpu.vector_load %arg7[%get3A_260] {strides = array<i32>} : memref<1024xi32, #tpu.memory_space<vmem>>, vector<16xi32>,
    %gather3A_262 = tpu.vector_load_idx %arg8[%get3A_261] : memref<1000xf32, #tpu.memory_space<vmem>>[vector<16xi32>], vector<16xf32>,
    %swap3A_263 = arith.constant 832 : index
    %swap3A_264 = tpu.vector_load %arg10[%swap3A_263] {strides = array<i32>} : memref<1024xf32, #tpu.memory_space<vmem>>, vector<16xf32>,
    tpu.vector_store %arg10[%swap3A_263], %gather3A_262 {strides = array<i32>} : memref<1024xf32, #tpu.memory_space<vmem>>, vector<16xf32>,
    %get3A_265 = arith.constant 848 : index
    %get3A_266 = tpu.vector_load %arg7[%get3A_265] {strides = array<i32>} : memref<1024xi32, #tpu.memory_space<vmem>>, vector<16xi32>,
    %gather3A_267 = tpu.vector_load_idx %arg8[%get3A_266] : memref<1000xf32, #tpu.memory_space<vmem>>[vector<16xi32>], vector<16xf32>,
    %swap3A_268 = arith.constant 848 : index
    %swap3A_269 = tpu.vector_load %arg10[%swap3A_268] {strides = array<i32>} : memref<1024xf32, #tpu.memory_space<vmem>>, vector<16xf32>,
    tpu.vector_store %arg10[%swap3A_268], %gather3A_267 {strides = array<i32>} : memref<1024xf32, #tpu.memory_space<vmem>>, vector<16xf32>,
    %get3A_270 = arith.constant 864 : index
    %get3A_271 = tpu.vector_load %arg7[%get3A_270] {strides = array<i32>} : memref<1024xi32, #tpu.memory_space<vmem>>, vector<16xi32>,
    %gather3A_272 = tpu.vector_load_idx %arg8[%get3A_271] : memref<1000xf32, #tpu.memory_space<vmem>>[vector<16xi32>], vector<16xf32>,
    %swap3A_273 = arith.constant 864 : index
    %swap3A_274 = tpu.vector_load %arg10[%swap3A_273] {strides = array<i32>} : memref<1024xf32, #tpu.memory_space<vmem>>, vector<16xf32>,
    tpu.vector_store %arg10[%swap3A_273], %gather3A_272 {strides = array<i32>} : memref<1024xf32, #tpu.memory_space<vmem>>, vector<16xf32>,
    %get3A_275 = arith.constant 880 : index
    %get3A_276 = tpu.vector_load %arg7[%get3A_275] {strides = array<i32>} : memref<1024xi32, #tpu.memory_space<vmem>>, vector<16xi32>,
    %gather3A_277 = tpu.vector_load_idx %arg8[%get3A_276] : memref<1000xf32, #tpu.memory_space<vmem>>[vector<16xi32>], vector<16xf32>,
    %swap3A_278 = arith.constant 880 : index
    %swap3A_279 = tpu.vector_load %arg10[%swap3A_278] {strides = array<i32>} : memref<1024xf32, #tpu.memory_space<vmem>>, vector<16xf32>,
    tpu.vector_store %arg10[%swap3A_278], %gather3A_277 {strides = array<i32>} : memref<1024xf32, #tpu.memory_space<vmem>>, vector<16xf32>,
    %get3A_280 = arith.constant 896 : index
    %get3A_281 = tpu.vector_load %arg7[%get3A_280] {strides = array<i32>} : memref<1024xi32, #tpu.memory_space<vmem>>, vector<16xi32>,
    %gather3A_282 = tpu.vector_load_idx %arg8[%get3A_281] : memref<1000xf32, #tpu.memory_space<vmem>>[vector<16xi32>], vector<16xf32>,
    %swap3A_283 = arith.constant 896 : index
    %swap3A_284 = tpu.vector_load %arg10[%swap3A_283] {strides = array<i32>} : memref<1024xf32, #tpu.memory_space<vmem>>, vector<16xf32>,
    tpu.vector_store %arg10[%swap3A_283], %gather3A_282 {strides = array<i32>} : memref<1024xf32, #tpu.memory_space<vmem>>, vector<16xf32>,
    %get3A_285 = arith.constant 912 : index
    %get3A_286 = tpu.vector_load %arg7[%get3A_285] {strides = array<i32>} : memref<1024xi32, #tpu.memory_space<vmem>>, vector<16xi32>,
    %gather3A_287 = tpu.vector_load_idx %arg8[%get3A_286] : memref<1000xf32, #tpu.memory_space<vmem>>[vector<16xi32>], vector<16xf32>,
    %swap3A_288 = arith.constant 912 : index
    %swap3A_289 = tpu.vector_load %arg10[%swap3A_288] {strides = array<i32>} : memref<1024xf32, #tpu.memory_space<vmem>>, vector<16xf32>,
    tpu.vector_store %arg10[%swap3A_288], %gather3A_287 {strides = array<i32>} : memref<1024xf32, #tpu.memory_space<vmem>>, vector<16xf32>,
    %get3A_290 = arith.constant 928 : index
    %get3A_291 = tpu.vector_load %arg7[%get3A_290] {strides = array<i32>} : memref<1024xi32, #tpu.memory_space<vmem>>, vector<16xi32>,
    %gather3A_292 = tpu.vector_load_idx %arg8[%get3A_291] : memref<1000xf32, #tpu.memory_space<vmem>>[vector<16xi32>], vector<16xf32>,
    %swap3A_293 = arith.constant 928 : index
    %swap3A_294 = tpu.vector_load %arg10[%swap3A_293] {strides = array<i32>} : memref<1024xf32, #tpu.memory_space<vmem>>, vector<16xf32>,
    tpu.vector_store %arg10[%swap3A_293], %gather3A_292 {strides = array<i32>} : memref<1024xf32, #tpu.memory_space<vmem>>, vector<16xf32>,
    %get3A_295 = arith.constant 944 : index
    %get3A_296 = tpu.vector_load %arg7[%get3A_295] {strides = array<i32>} : memref<1024xi32, #tpu.memory_space<vmem>>, vector<16xi32>,
    %gather3A_297 = tpu.vector_load_idx %arg8[%get3A_296] : memref<1000xf32, #tpu.memory_space<vmem>>[vector<16xi32>], vector<16xf32>,
    %swap3A_298 = arith.constant 944 : index
    %swap3A_299 = tpu.vector_load %arg10[%swap3A_298] {strides = array<i32>} : memref<1024xf32, #tpu.memory_space<vmem>>, vector<16xf32>,
    tpu.vector_store %arg10[%swap3A_298], %gather3A_297 {strides = array<i32>} : memref<1024xf32, #tpu.memory_space<vmem>>, vector<16xf32>,
    %get3A_300 = arith.constant 960 : index
    %get3A_301 = tpu.vector_load %arg7[%get3A_300] {strides = array<i32>} : memref<1024xi32, #tpu.memory_space<vmem>>, vector<16xi32>,
    %gather3A_302 = tpu.vector_load_idx %arg8[%get3A_301] : memref<1000xf32, #tpu.memory_space<vmem>>[vector<16xi32>], vector<16xf32>,
    %swap3A_303 = arith.constant 960 : index
    %swap3A_304 = tpu.vector_load %arg10[%swap3A_303] {strides = array<i32>} : memref<1024xf32, #tpu.memory_space<vmem>>, vector<16xf32>,
    tpu.vector_store %arg10[%swap3A_303], %gather3A_302 {strides = array<i32>} : memref<1024xf32, #tpu.memory_space<vmem>>, vector<16xf32>,
    %get3A_305 = arith.constant 976 : index
    %get3A_306 = tpu.vector_load %arg7[%get3A_305] {strides = array<i32>} : memref<1024xi32, #tpu.memory_space<vmem>>, vector<16xi32>,
    %gather3A_307 = tpu.vector_load_idx %arg8[%get3A_306] : memref<1000xf32, #tpu.memory_space<vmem>>[vector<16xi32>], vector<16xf32>,
    %swap3A_308 = arith.constant 976 : index
    %swap3A_309 = tpu.vector_load %arg10[%swap3A_308] {strides = array<i32>} : memref<1024xf32, #tpu.memory_space<vmem>>, vector<16xf32>,
    tpu.vector_store %arg10[%swap3A_308], %gather3A_307 {strides = array<i32>} : memref<1024xf32, #tpu.memory_space<vmem>>, vector<16xf32>,
    %get3A_310 = arith.constant 992 : index
    %get3A_311 = tpu.vector_load %arg7[%get3A_310] {strides = array<i32>} : memref<1024xi32, #tpu.memory_space<vmem>>, vector<16xi32>,
    %gather3A_312 = tpu.vector_load_idx %arg8[%get3A_311] : memref<1000xf32, #tpu.memory_space<vmem>>[vector<16xi32>], vector<16xf32>,
    %swap3A_313 = arith.constant 992 : index
    %swap3A_314 = tpu.vector_load %arg10[%swap3A_313] {strides = array<i32>} : memref<1024xf32, #tpu.memory_space<vmem>>, vector<16xf32>,
    tpu.vector_store %arg10[%swap3A_313], %gather3A_312 {strides = array<i32>} : memref<1024xf32, #tpu.memory_space<vmem>>, vector<16xf32>,
    %get3A_315 = arith.constant 1008 : index
    %get3A_316 = tpu.vector_load %arg7[%get3A_315] {strides = array<i32>} : memref<1024xi32, #tpu.memory_space<vmem>>, vector<16xi32>,
    %gather3A_317 = tpu.vector_load_idx %arg8[%get3A_316] : memref<1000xf32, #tpu.memory_space<vmem>>[vector<16xi32>], vector<16xf32>,
    %swap3A_318 = arith.constant 1008 : index
    %swap3A_319 = tpu.vector_load %arg10[%swap3A_318] {strides = array<i32>} : memref<1024xf32, #tpu.memory_space<vmem>>, vector<16xf32>,
    tpu.vector_store %arg10[%swap3A_318], %gather3A_317 {strides = array<i32>} : memref<1024xf32, #tpu.memory_space<vmem>>, vector<16xf32>,
    %dma_start3A_320 = tpu.memref_slice %arg5[%mul3A_0] : memref<16384xf32, #tpu.memory_space<hbm>> -> memref<1024xf32, #tpu.memory_space<hbm>>
    %dma_start3A_321 = tpu.memref_slice %arg5[%mul3A_0] : memref<16384xf32, #tpu.memory_space<hbm>> -> memref<1024xf32, #tpu.memory_space<hbm>>
    tpu.enqueue_dma source(%arg10 : memref<1024xf32, #tpu.memory_space<vmem>>) target(%dma_start3A_321 : memref<1024xf32, #tpu.memory_space<hbm>>) target_semaphore(%arg12 : memref<!tpu.dma_semaphore, #tpu.memory_space<semaphore_mem>>)
    %get3A_322 = arith.constant 0 : index
    %get3A_323 = tpu.vector_load %arg7[%get3A_322] {strides = array<i32>} : memref<1024xi32, #tpu.memory_space<vmem>>, vector<16xi32>,
    %gather3A_324 = tpu.vector_load_idx %arg9[%get3A_323] : memref<1000xf32, #tpu.memory_space<vmem>>[vector<16xi32>], vector<16xf32>,
    %swap3A_325 = arith.constant 0 : index
    %swap3A_326 = tpu.vector_load %arg11[%swap3A_325] {strides = array<i32>} : memref<1024xf32, #tpu.memory_space<vmem>>, vector<16xf32>,
    tpu.vector_store %arg11[%swap3A_325], %gather3A_324 {strides = array<i32>} : memref<1024xf32, #tpu.memory_space<vmem>>, vector<16xf32>,
    %get3A_327 = arith.constant 16 : index
    %get3A_328 = tpu.vector_load %arg7[%get3A_327] {strides = array<i32>} : memref<1024xi32, #tpu.memory_space<vmem>>, vector<16xi32>,
    %gather3A_329 = tpu.vector_load_idx %arg9[%get3A_328] : memref<1000xf32, #tpu.memory_space<vmem>>[vector<16xi32>], vector<16xf32>,
    %swap3A_330 = arith.constant 16 : index
    %swap3A_331 = tpu.vector_load %arg11[%swap3A_330] {strides = array<i32>} : memref<1024xf32, #tpu.memory_space<vmem>>, vector<16xf32>,
    tpu.vector_store %arg11[%swap3A_330], %gather3A_329 {strides = array<i32>} : memref<1024xf32, #tpu.memory_space<vmem>>, vector<16xf32>,
    %get3A_332 = arith.constant 32 : index
    %get3A_333 = tpu.vector_load %arg7[%get3A_332] {strides = array<i32>} : memref<1024xi32, #tpu.memory_space<vmem>>, vector<16xi32>,
    %gather3A_334 = tpu.vector_load_idx %arg9[%get3A_333] : memref<1000xf32, #tpu.memory_space<vmem>>[vector<16xi32>], vector<16xf32>,
    %swap3A_335 = arith.constant 32 : index
    %swap3A_336 = tpu.vector_load %arg11[%swap3A_335] {strides = array<i32>} : memref<1024xf32, #tpu.memory_space<vmem>>, vector<16xf32>,
    tpu.vector_store %arg11[%swap3A_335], %gather3A_334 {strides = array<i32>} : memref<1024xf32, #tpu.memory_space<vmem>>, vector<16xf32>,
    %get3A_337 = arith.constant 48 : index
    %get3A_338 = tpu.vector_load %arg7[%get3A_337] {strides = array<i32>} : memref<1024xi32, #tpu.memory_space<vmem>>, vector<16xi32>,
    %gather3A_339 = tpu.vector_load_idx %arg9[%get3A_338] : memref<1000xf32, #tpu.memory_space<vmem>>[vector<16xi32>], vector<16xf32>,
    %swap3A_340 = arith.constant 48 : index
    %swap3A_341 = tpu.vector_load %arg11[%swap3A_340] {strides = array<i32>} : memref<1024xf32, #tpu.memory_space<vmem>>, vector<16xf32>,
    tpu.vector_store %arg11[%swap3A_340], %gather3A_339 {strides = array<i32>} : memref<1024xf32, #tpu.memory_space<vmem>>, vector<16xf32>,
    %get3A_342 = arith.constant 64 : index
    %get3A_343 = tpu.vector_load %arg7[%get3A_342] {strides = array<i32>} : memref<1024xi32, #tpu.memory_space<vmem>>, vector<16xi32>,
    %gather3A_344 = tpu.vector_load_idx %arg9[%get3A_343] : memref<1000xf32, #tpu.memory_space<vmem>>[vector<16xi32>], vector<16xf32>,
    %swap3A_345 = arith.constant 64 : index
    %swap3A_346 = tpu.vector_load %arg11[%swap3A_345] {strides = array<i32>} : memref<1024xf32, #tpu.memory_space<vmem>>, vector<16xf32>,
    tpu.vector_store %arg11[%swap3A_345], %gather3A_344 {strides = array<i32>} : memref<1024xf32, #tpu.memory_space<vmem>>, vector<16xf32>,
    %get3A_347 = arith.constant 80 : index
    %get3A_348 = tpu.vector_load %arg7[%get3A_347] {strides = array<i32>} : memref<1024xi32, #tpu.memory_space<vmem>>, vector<16xi32>,
    %gather3A_349 = tpu.vector_load_idx %arg9[%get3A_348] : memref<1000xf32, #tpu.memory_space<vmem>>[vector<16xi32>], vector<16xf32>,
    %swap3A_350 = arith.constant 80 : index
    %swap3A_351 = tpu.vector_load %arg11[%swap3A_350] {strides = array<i32>} : memref<1024xf32, #tpu.memory_space<vmem>>, vector<16xf32>,
    tpu.vector_store %arg11[%swap3A_350], %gather3A_349 {strides = array<i32>} : memref<1024xf32, #tpu.memory_space<vmem>>, vector<16xf32>,
    %get3A_352 = arith.constant 96 : index
    %get3A_353 = tpu.vector_load %arg7[%get3A_352] {strides = array<i32>} : memref<1024xi32, #tpu.memory_space<vmem>>, vector<16xi32>,
    %gather3A_354 = tpu.vector_load_idx %arg9[%get3A_353] : memref<1000xf32, #tpu.memory_space<vmem>>[vector<16xi32>], vector<16xf32>,
    %swap3A_355 = arith.constant 96 : index
    %swap3A_356 = tpu.vector_load %arg11[%swap3A_355] {strides = array<i32>} : memref<1024xf32, #tpu.memory_space<vmem>>, vector<16xf32>,
    tpu.vector_store %arg11[%swap3A_355], %gather3A_354 {strides = array<i32>} : memref<1024xf32, #tpu.memory_space<vmem>>, vector<16xf32>,
    %get3A_357 = arith.constant 112 : index
    %get3A_358 = tpu.vector_load %arg7[%get3A_357] {strides = array<i32>} : memref<1024xi32, #tpu.memory_space<vmem>>, vector<16xi32>,
    %gather3A_359 = tpu.vector_load_idx %arg9[%get3A_358] : memref<1000xf32, #tpu.memory_space<vmem>>[vector<16xi32>], vector<16xf32>,
    %swap3A_360 = arith.constant 112 : index
    %swap3A_361 = tpu.vector_load %arg11[%swap3A_360] {strides = array<i32>} : memref<1024xf32, #tpu.memory_space<vmem>>, vector<16xf32>,
    tpu.vector_store %arg11[%swap3A_360], %gather3A_359 {strides = array<i32>} : memref<1024xf32, #tpu.memory_space<vmem>>, vector<16xf32>,
    %get3A_362 = arith.constant 128 : index
    %get3A_363 = tpu.vector_load %arg7[%get3A_362] {strides = array<i32>} : memref<1024xi32, #tpu.memory_space<vmem>>, vector<16xi32>,
    %gather3A_364 = tpu.vector_load_idx %arg9[%get3A_363] : memref<1000xf32, #tpu.memory_space<vmem>>[vector<16xi32>], vector<16xf32>,
    %swap3A_365 = arith.constant 128 : index
    %swap3A_366 = tpu.vector_load %arg11[%swap3A_365] {strides = array<i32>} : memref<1024xf32, #tpu.memory_space<vmem>>, vector<16xf32>,
    tpu.vector_store %arg11[%swap3A_365], %gather3A_364 {strides = array<i32>} : memref<1024xf32, #tpu.memory_space<vmem>>, vector<16xf32>,
    %get3A_367 = arith.constant 144 : index
    %get3A_368 = tpu.vector_load %arg7[%get3A_367] {strides = array<i32>} : memref<1024xi32, #tpu.memory_space<vmem>>, vector<16xi32>,
    %gather3A_369 = tpu.vector_load_idx %arg9[%get3A_368] : memref<1000xf32, #tpu.memory_space<vmem>>[vector<16xi32>], vector<16xf32>,
    %swap3A_370 = arith.constant 144 : index
    %swap3A_371 = tpu.vector_load %arg11[%swap3A_370] {strides = array<i32>} : memref<1024xf32, #tpu.memory_space<vmem>>, vector<16xf32>,
    tpu.vector_store %arg11[%swap3A_370], %gather3A_369 {strides = array<i32>} : memref<1024xf32, #tpu.memory_space<vmem>>, vector<16xf32>,
    %get3A_372 = arith.constant 160 : index
    %get3A_373 = tpu.vector_load %arg7[%get3A_372] {strides = array<i32>} : memref<1024xi32, #tpu.memory_space<vmem>>, vector<16xi32>,
    %gather3A_374 = tpu.vector_load_idx %arg9[%get3A_373] : memref<1000xf32, #tpu.memory_space<vmem>>[vector<16xi32>], vector<16xf32>,
    %swap3A_375 = arith.constant 160 : index
    %swap3A_376 = tpu.vector_load %arg11[%swap3A_375] {strides = array<i32>} : memref<1024xf32, #tpu.memory_space<vmem>>, vector<16xf32>,
    tpu.vector_store %arg11[%swap3A_375], %gather3A_374 {strides = array<i32>} : memref<1024xf32, #tpu.memory_space<vmem>>, vector<16xf32>,
    %get3A_377 = arith.constant 176 : index
    %get3A_378 = tpu.vector_load %arg7[%get3A_377] {strides = array<i32>} : memref<1024xi32, #tpu.memory_space<vmem>>, vector<16xi32>,
    %gather3A_379 = tpu.vector_load_idx %arg9[%get3A_378] : memref<1000xf32, #tpu.memory_space<vmem>>[vector<16xi32>], vector<16xf32>,
    %swap3A_380 = arith.constant 176 : index
    %swap3A_381 = tpu.vector_load %arg11[%swap3A_380] {strides = array<i32>} : memref<1024xf32, #tpu.memory_space<vmem>>, vector<16xf32>,
    tpu.vector_store %arg11[%swap3A_380], %gather3A_379 {strides = array<i32>} : memref<1024xf32, #tpu.memory_space<vmem>>, vector<16xf32>,
    %get3A_382 = arith.constant 192 : index
    %get3A_383 = tpu.vector_load %arg7[%get3A_382] {strides = array<i32>} : memref<1024xi32, #tpu.memory_space<vmem>>, vector<16xi32>,
    %gather3A_384 = tpu.vector_load_idx %arg9[%get3A_383] : memref<1000xf32, #tpu.memory_space<vmem>>[vector<16xi32>], vector<16xf32>,
    %swap3A_385 = arith.constant 192 : index
    %swap3A_386 = tpu.vector_load %arg11[%swap3A_385] {strides = array<i32>} : memref<1024xf32, #tpu.memory_space<vmem>>, vector<16xf32>,
    tpu.vector_store %arg11[%swap3A_385], %gather3A_384 {strides = array<i32>} : memref<1024xf32, #tpu.memory_space<vmem>>, vector<16xf32>,
    %get3A_387 = arith.constant 208 : index
    %get3A_388 = tpu.vector_load %arg7[%get3A_387] {strides = array<i32>} : memref<1024xi32, #tpu.memory_space<vmem>>, vector<16xi32>,
    %gather3A_389 = tpu.vector_load_idx %arg9[%get3A_388] : memref<1000xf32, #tpu.memory_space<vmem>>[vector<16xi32>], vector<16xf32>,
    %swap3A_390 = arith.constant 208 : index
    %swap3A_391 = tpu.vector_load %arg11[%swap3A_390] {strides = array<i32>} : memref<1024xf32, #tpu.memory_space<vmem>>, vector<16xf32>,
    tpu.vector_store %arg11[%swap3A_390], %gather3A_389 {strides = array<i32>} : memref<1024xf32, #tpu.memory_space<vmem>>, vector<16xf32>,
    %get3A_392 = arith.constant 224 : index
    %get3A_393 = tpu.vector_load %arg7[%get3A_392] {strides = array<i32>} : memref<1024xi32, #tpu.memory_space<vmem>>, vector<16xi32>,
    %gather3A_394 = tpu.vector_load_idx %arg9[%get3A_393] : memref<1000xf32, #tpu.memory_space<vmem>>[vector<16xi32>], vector<16xf32>,
    %swap3A_395 = arith.constant 224 : index
    %swap3A_396 = tpu.vector_load %arg11[%swap3A_395] {strides = array<i32>} : memref<1024xf32, #tpu.memory_space<vmem>>, vector<16xf32>,
    tpu.vector_store %arg11[%swap3A_395], %gather3A_394 {strides = array<i32>} : memref<1024xf32, #tpu.memory_space<vmem>>, vector<16xf32>,
    %get3A_397 = arith.constant 240 : index
    %get3A_398 = tpu.vector_load %arg7[%get3A_397] {strides = array<i32>} : memref<1024xi32, #tpu.memory_space<vmem>>, vector<16xi32>,
    %gather3A_399 = tpu.vector_load_idx %arg9[%get3A_398] : memref<1000xf32, #tpu.memory_space<vmem>>[vector<16xi32>], vector<16xf32>,
    %swap3A_400 = arith.constant 240 : index
    %swap3A_401 = tpu.vector_load %arg11[%swap3A_400] {strides = array<i32>} : memref<1024xf32, #tpu.memory_space<vmem>>, vector<16xf32>,
    tpu.vector_store %arg11[%swap3A_400], %gather3A_399 {strides = array<i32>} : memref<1024xf32, #tpu.memory_space<vmem>>, vector<16xf32>,
    %get3A_402 = arith.constant 256 : index
    %get3A_403 = tpu.vector_load %arg7[%get3A_402] {strides = array<i32>} : memref<1024xi32, #tpu.memory_space<vmem>>, vector<16xi32>,
    %gather3A_404 = tpu.vector_load_idx %arg9[%get3A_403] : memref<1000xf32, #tpu.memory_space<vmem>>[vector<16xi32>], vector<16xf32>,
    %swap3A_405 = arith.constant 256 : index
    %swap3A_406 = tpu.vector_load %arg11[%swap3A_405] {strides = array<i32>} : memref<1024xf32, #tpu.memory_space<vmem>>, vector<16xf32>,
    tpu.vector_store %arg11[%swap3A_405], %gather3A_404 {strides = array<i32>} : memref<1024xf32, #tpu.memory_space<vmem>>, vector<16xf32>,
    %get3A_407 = arith.constant 272 : index
    %get3A_408 = tpu.vector_load %arg7[%get3A_407] {strides = array<i32>} : memref<1024xi32, #tpu.memory_space<vmem>>, vector<16xi32>,
    %gather3A_409 = tpu.vector_load_idx %arg9[%get3A_408] : memref<1000xf32, #tpu.memory_space<vmem>>[vector<16xi32>], vector<16xf32>,
    %swap3A_410 = arith.constant 272 : index
    %swap3A_411 = tpu.vector_load %arg11[%swap3A_410] {strides = array<i32>} : memref<1024xf32, #tpu.memory_space<vmem>>, vector<16xf32>,
    tpu.vector_store %arg11[%swap3A_410], %gather3A_409 {strides = array<i32>} : memref<1024xf32, #tpu.memory_space<vmem>>, vector<16xf32>,
    %get3A_412 = arith.constant 288 : index
    %get3A_413 = tpu.vector_load %arg7[%get3A_412] {strides = array<i32>} : memref<1024xi32, #tpu.memory_space<vmem>>, vector<16xi32>,
    %gather3A_414 = tpu.vector_load_idx %arg9[%get3A_413] : memref<1000xf32, #tpu.memory_space<vmem>>[vector<16xi32>], vector<16xf32>,
    %swap3A_415 = arith.constant 288 : index
    %swap3A_416 = tpu.vector_load %arg11[%swap3A_415] {strides = array<i32>} : memref<1024xf32, #tpu.memory_space<vmem>>, vector<16xf32>,
    tpu.vector_store %arg11[%swap3A_415], %gather3A_414 {strides = array<i32>} : memref<1024xf32, #tpu.memory_space<vmem>>, vector<16xf32>,
    %get3A_417 = arith.constant 304 : index
    %get3A_418 = tpu.vector_load %arg7[%get3A_417] {strides = array<i32>} : memref<1024xi32, #tpu.memory_space<vmem>>, vector<16xi32>,
    %gather3A_419 = tpu.vector_load_idx %arg9[%get3A_418] : memref<1000xf32, #tpu.memory_space<vmem>>[vector<16xi32>], vector<16xf32>,
    %swap3A_420 = arith.constant 304 : index
    %swap3A_421 = tpu.vector_load %arg11[%swap3A_420] {strides = array<i32>} : memref<1024xf32, #tpu.memory_space<vmem>>, vector<16xf32>,
    tpu.vector_store %arg11[%swap3A_420], %gather3A_419 {strides = array<i32>} : memref<1024xf32, #tpu.memory_space<vmem>>, vector<16xf32>,
    %get3A_422 = arith.constant 320 : index
    %get3A_423 = tpu.vector_load %arg7[%get3A_422] {strides = array<i32>} : memref<1024xi32, #tpu.memory_space<vmem>>, vector<16xi32>,
    %gather3A_424 = tpu.vector_load_idx %arg9[%get3A_423] : memref<1000xf32, #tpu.memory_space<vmem>>[vector<16xi32>], vector<16xf32>,
    %swap3A_425 = arith.constant 320 : index
    %swap3A_426 = tpu.vector_load %arg11[%swap3A_425] {strides = array<i32>} : memref<1024xf32, #tpu.memory_space<vmem>>, vector<16xf32>,
    tpu.vector_store %arg11[%swap3A_425], %gather3A_424 {strides = array<i32>} : memref<1024xf32, #tpu.memory_space<vmem>>, vector<16xf32>,
    %get3A_427 = arith.constant 336 : index
    %get3A_428 = tpu.vector_load %arg7[%get3A_427] {strides = array<i32>} : memref<1024xi32, #tpu.memory_space<vmem>>, vector<16xi32>,
    %gather3A_429 = tpu.vector_load_idx %arg9[%get3A_428] : memref<1000xf32, #tpu.memory_space<vmem>>[vector<16xi32>], vector<16xf32>,
    %swap3A_430 = arith.constant 336 : index
    %swap3A_431 = tpu.vector_load %arg11[%swap3A_430] {strides = array<i32>} : memref<1024xf32, #tpu.memory_space<vmem>>, vector<16xf32>,
    tpu.vector_store %arg11[%swap3A_430], %gather3A_429 {strides = array<i32>} : memref<1024xf32, #tpu.memory_space<vmem>>, vector<16xf32>,
    %get3A_432 = arith.constant 352 : index
    %get3A_433 = tpu.vector_load %arg7[%get3A_432] {strides = array<i32>} : memref<1024xi32, #tpu.memory_space<vmem>>, vector<16xi32>,
    %gather3A_434 = tpu.vector_load_idx %arg9[%get3A_433] : memref<1000xf32, #tpu.memory_space<vmem>>[vector<16xi32>], vector<16xf32>,
    %swap3A_435 = arith.constant 352 : index
    %swap3A_436 = tpu.vector_load %arg11[%swap3A_435] {strides = array<i32>} : memref<1024xf32, #tpu.memory_space<vmem>>, vector<16xf32>,
    tpu.vector_store %arg11[%swap3A_435], %gather3A_434 {strides = array<i32>} : memref<1024xf32, #tpu.memory_space<vmem>>, vector<16xf32>,
    %get3A_437 = arith.constant 368 : index
    %get3A_438 = tpu.vector_load %arg7[%get3A_437] {strides = array<i32>} : memref<1024xi32, #tpu.memory_space<vmem>>, vector<16xi32>,
    %gather3A_439 = tpu.vector_load_idx %arg9[%get3A_438] : memref<1000xf32, #tpu.memory_space<vmem>>[vector<16xi32>], vector<16xf32>,
    %swap3A_440 = arith.constant 368 : index
    %swap3A_441 = tpu.vector_load %arg11[%swap3A_440] {strides = array<i32>} : memref<1024xf32, #tpu.memory_space<vmem>>, vector<16xf32>,
    tpu.vector_store %arg11[%swap3A_440], %gather3A_439 {strides = array<i32>} : memref<1024xf32, #tpu.memory_space<vmem>>, vector<16xf32>,
    %get3A_442 = arith.constant 384 : index
    %get3A_443 = tpu.vector_load %arg7[%get3A_442] {strides = array<i32>} : memref<1024xi32, #tpu.memory_space<vmem>>, vector<16xi32>,
    %gather3A_444 = tpu.vector_load_idx %arg9[%get3A_443] : memref<1000xf32, #tpu.memory_space<vmem>>[vector<16xi32>], vector<16xf32>,
    %swap3A_445 = arith.constant 384 : index
    %swap3A_446 = tpu.vector_load %arg11[%swap3A_445] {strides = array<i32>} : memref<1024xf32, #tpu.memory_space<vmem>>, vector<16xf32>,
    tpu.vector_store %arg11[%swap3A_445], %gather3A_444 {strides = array<i32>} : memref<1024xf32, #tpu.memory_space<vmem>>, vector<16xf32>,
    %get3A_447 = arith.constant 400 : index
    %get3A_448 = tpu.vector_load %arg7[%get3A_447] {strides = array<i32>} : memref<1024xi32, #tpu.memory_space<vmem>>, vector<16xi32>,
    %gather3A_449 = tpu.vector_load_idx %arg9[%get3A_448] : memref<1000xf32, #tpu.memory_space<vmem>>[vector<16xi32>], vector<16xf32>,
    %swap3A_450 = arith.constant 400 : index
    %swap3A_451 = tpu.vector_load %arg11[%swap3A_450] {strides = array<i32>} : memref<1024xf32, #tpu.memory_space<vmem>>, vector<16xf32>,
    tpu.vector_store %arg11[%swap3A_450], %gather3A_449 {strides = array<i32>} : memref<1024xf32, #tpu.memory_space<vmem>>, vector<16xf32>,
    %get3A_452 = arith.constant 416 : index
    %get3A_453 = tpu.vector_load %arg7[%get3A_452] {strides = array<i32>} : memref<1024xi32, #tpu.memory_space<vmem>>, vector<16xi32>,
    %gather3A_454 = tpu.vector_load_idx %arg9[%get3A_453] : memref<1000xf32, #tpu.memory_space<vmem>>[vector<16xi32>], vector<16xf32>,
    %swap3A_455 = arith.constant 416 : index
    %swap3A_456 = tpu.vector_load %arg11[%swap3A_455] {strides = array<i32>} : memref<1024xf32, #tpu.memory_space<vmem>>, vector<16xf32>,
    tpu.vector_store %arg11[%swap3A_455], %gather3A_454 {strides = array<i32>} : memref<1024xf32, #tpu.memory_space<vmem>>, vector<16xf32>,
    %get3A_457 = arith.constant 432 : index
    %get3A_458 = tpu.vector_load %arg7[%get3A_457] {strides = array<i32>} : memref<1024xi32, #tpu.memory_space<vmem>>, vector<16xi32>,
    %gather3A_459 = tpu.vector_load_idx %arg9[%get3A_458] : memref<1000xf32, #tpu.memory_space<vmem>>[vector<16xi32>], vector<16xf32>,
    %swap3A_460 = arith.constant 432 : index
    %swap3A_461 = tpu.vector_load %arg11[%swap3A_460] {strides = array<i32>} : memref<1024xf32, #tpu.memory_space<vmem>>, vector<16xf32>,
    tpu.vector_store %arg11[%swap3A_460], %gather3A_459 {strides = array<i32>} : memref<1024xf32, #tpu.memory_space<vmem>>, vector<16xf32>,
    %get3A_462 = arith.constant 448 : index
    %get3A_463 = tpu.vector_load %arg7[%get3A_462] {strides = array<i32>} : memref<1024xi32, #tpu.memory_space<vmem>>, vector<16xi32>,
    %gather3A_464 = tpu.vector_load_idx %arg9[%get3A_463] : memref<1000xf32, #tpu.memory_space<vmem>>[vector<16xi32>], vector<16xf32>,
    %swap3A_465 = arith.constant 448 : index
    %swap3A_466 = tpu.vector_load %arg11[%swap3A_465] {strides = array<i32>} : memref<1024xf32, #tpu.memory_space<vmem>>, vector<16xf32>,
    tpu.vector_store %arg11[%swap3A_465], %gather3A_464 {strides = array<i32>} : memref<1024xf32, #tpu.memory_space<vmem>>, vector<16xf32>,
    %get3A_467 = arith.constant 464 : index
    %get3A_468 = tpu.vector_load %arg7[%get3A_467] {strides = array<i32>} : memref<1024xi32, #tpu.memory_space<vmem>>, vector<16xi32>,
    %gather3A_469 = tpu.vector_load_idx %arg9[%get3A_468] : memref<1000xf32, #tpu.memory_space<vmem>>[vector<16xi32>], vector<16xf32>,
    %swap3A_470 = arith.constant 464 : index
    %swap3A_471 = tpu.vector_load %arg11[%swap3A_470] {strides = array<i32>} : memref<1024xf32, #tpu.memory_space<vmem>>, vector<16xf32>,
    tpu.vector_store %arg11[%swap3A_470], %gather3A_469 {strides = array<i32>} : memref<1024xf32, #tpu.memory_space<vmem>>, vector<16xf32>,
    %get3A_472 = arith.constant 480 : index
    %get3A_473 = tpu.vector_load %arg7[%get3A_472] {strides = array<i32>} : memref<1024xi32, #tpu.memory_space<vmem>>, vector<16xi32>,
    %gather3A_474 = tpu.vector_load_idx %arg9[%get3A_473] : memref<1000xf32, #tpu.memory_space<vmem>>[vector<16xi32>], vector<16xf32>,
    %swap3A_475 = arith.constant 480 : index
    %swap3A_476 = tpu.vector_load %arg11[%swap3A_475] {strides = array<i32>} : memref<1024xf32, #tpu.memory_space<vmem>>, vector<16xf32>,
    tpu.vector_store %arg11[%swap3A_475], %gather3A_474 {strides = array<i32>} : memref<1024xf32, #tpu.memory_space<vmem>>, vector<16xf32>,
    %get3A_477 = arith.constant 496 : index
    %get3A_478 = tpu.vector_load %arg7[%get3A_477] {strides = array<i32>} : memref<1024xi32, #tpu.memory_space<vmem>>, vector<16xi32>,
    %gather3A_479 = tpu.vector_load_idx %arg9[%get3A_478] : memref<1000xf32, #tpu.memory_space<vmem>>[vector<16xi32>], vector<16xf32>,
    %swap3A_480 = arith.constant 496 : index
    %swap3A_481 = tpu.vector_load %arg11[%swap3A_480] {strides = array<i32>} : memref<1024xf32, #tpu.memory_space<vmem>>, vector<16xf32>,
    tpu.vector_store %arg11[%swap3A_480], %gather3A_479 {strides = array<i32>} : memref<1024xf32, #tpu.memory_space<vmem>>, vector<16xf32>,
    %get3A_482 = arith.constant 512 : index
    %get3A_483 = tpu.vector_load %arg7[%get3A_482] {strides = array<i32>} : memref<1024xi32, #tpu.memory_space<vmem>>, vector<16xi32>,
    %gather3A_484 = tpu.vector_load_idx %arg9[%get3A_483] : memref<1000xf32, #tpu.memory_space<vmem>>[vector<16xi32>], vector<16xf32>,
    %swap3A_485 = arith.constant 512 : index
    %swap3A_486 = tpu.vector_load %arg11[%swap3A_485] {strides = array<i32>} : memref<1024xf32, #tpu.memory_space<vmem>>, vector<16xf32>,
    tpu.vector_store %arg11[%swap3A_485], %gather3A_484 {strides = array<i32>} : memref<1024xf32, #tpu.memory_space<vmem>>, vector<16xf32>,
    %get3A_487 = arith.constant 528 : index
    %get3A_488 = tpu.vector_load %arg7[%get3A_487] {strides = array<i32>} : memref<1024xi32, #tpu.memory_space<vmem>>, vector<16xi32>,
    %gather3A_489 = tpu.vector_load_idx %arg9[%get3A_488] : memref<1000xf32, #tpu.memory_space<vmem>>[vector<16xi32>], vector<16xf32>,
    %swap3A_490 = arith.constant 528 : index
    %swap3A_491 = tpu.vector_load %arg11[%swap3A_490] {strides = array<i32>} : memref<1024xf32, #tpu.memory_space<vmem>>, vector<16xf32>,
    tpu.vector_store %arg11[%swap3A_490], %gather3A_489 {strides = array<i32>} : memref<1024xf32, #tpu.memory_space<vmem>>, vector<16xf32>,
    %get3A_492 = arith.constant 544 : index
    %get3A_493 = tpu.vector_load %arg7[%get3A_492] {strides = array<i32>} : memref<1024xi32, #tpu.memory_space<vmem>>, vector<16xi32>,
    %gather3A_494 = tpu.vector_load_idx %arg9[%get3A_493] : memref<1000xf32, #tpu.memory_space<vmem>>[vector<16xi32>], vector<16xf32>,
    %swap3A_495 = arith.constant 544 : index
    %swap3A_496 = tpu.vector_load %arg11[%swap3A_495] {strides = array<i32>} : memref<1024xf32, #tpu.memory_space<vmem>>, vector<16xf32>,
    tpu.vector_store %arg11[%swap3A_495], %gather3A_494 {strides = array<i32>} : memref<1024xf32, #tpu.memory_space<vmem>>, vector<16xf32>,
    %get3A_497 = arith.constant 560 : index
    %get3A_498 = tpu.vector_load %arg7[%get3A_497] {strides = array<i32>} : memref<1024xi32, #tpu.memory_space<vmem>>, vector<16xi32>,
    %gather3A_499 = tpu.vector_load_idx %arg9[%get3A_498] : memref<1000xf32, #tpu.memory_space<vmem>>[vector<16xi32>], vector<16xf32>,
    %swap3A_500 = arith.constant 560 : index
    %swap3A_501 = tpu.vector_load %arg11[%swap3A_500] {strides = array<i32>} : memref<1024xf32, #tpu.memory_space<vmem>>, vector<16xf32>,
    tpu.vector_store %arg11[%swap3A_500], %gather3A_499 {strides = array<i32>} : memref<1024xf32, #tpu.memory_space<vmem>>, vector<16xf32>,
    %get3A_502 = arith.constant 576 : index
    %get3A_503 = tpu.vector_load %arg7[%get3A_502] {strides = array<i32>} : memref<1024xi32, #tpu.memory_space<vmem>>, vector<16xi32>,
    %gather3A_504 = tpu.vector_load_idx %arg9[%get3A_503] : memref<1000xf32, #tpu.memory_space<vmem>>[vector<16xi32>], vector<16xf32>,
    %swap3A_505 = arith.constant 576 : index
    %swap3A_506 = tpu.vector_load %arg11[%swap3A_505] {strides = array<i32>} : memref<1024xf32, #tpu.memory_space<vmem>>, vector<16xf32>,
    tpu.vector_store %arg11[%swap3A_505], %gather3A_504 {strides = array<i32>} : memref<1024xf32, #tpu.memory_space<vmem>>, vector<16xf32>,
    %get3A_507 = arith.constant 592 : index
    %get3A_508 = tpu.vector_load %arg7[%get3A_507] {strides = array<i32>} : memref<1024xi32, #tpu.memory_space<vmem>>, vector<16xi32>,
    %gather3A_509 = tpu.vector_load_idx %arg9[%get3A_508] : memref<1000xf32, #tpu.memory_space<vmem>>[vector<16xi32>], vector<16xf32>,
    %swap3A_510 = arith.constant 592 : index
    %swap3A_511 = tpu.vector_load %arg11[%swap3A_510] {strides = array<i32>} : memref<1024xf32, #tpu.memory_space<vmem>>, vector<16xf32>,
    tpu.vector_store %arg11[%swap3A_510], %gather3A_509 {strides = array<i32>} : memref<1024xf32, #tpu.memory_space<vmem>>, vector<16xf32>,
    %get3A_512 = arith.constant 608 : index
    %get3A_513 = tpu.vector_load %arg7[%get3A_512] {strides = array<i32>} : memref<1024xi32, #tpu.memory_space<vmem>>, vector<16xi32>,
    %gather3A_514 = tpu.vector_load_idx %arg9[%get3A_513] : memref<1000xf32, #tpu.memory_space<vmem>>[vector<16xi32>], vector<16xf32>,
    %swap3A_515 = arith.constant 608 : index
    %swap3A_516 = tpu.vector_load %arg11[%swap3A_515] {strides = array<i32>} : memref<1024xf32, #tpu.memory_space<vmem>>, vector<16xf32>,
    tpu.vector_store %arg11[%swap3A_515], %gather3A_514 {strides = array<i32>} : memref<1024xf32, #tpu.memory_space<vmem>>, vector<16xf32>,
    %get3A_517 = arith.constant 624 : index
    %get3A_518 = tpu.vector_load %arg7[%get3A_517] {strides = array<i32>} : memref<1024xi32, #tpu.memory_space<vmem>>, vector<16xi32>,
    %gather3A_519 = tpu.vector_load_idx %arg9[%get3A_518] : memref<1000xf32, #tpu.memory_space<vmem>>[vector<16xi32>], vector<16xf32>,
    %swap3A_520 = arith.constant 624 : index
    %swap3A_521 = tpu.vector_load %arg11[%swap3A_520] {strides = array<i32>} : memref<1024xf32, #tpu.memory_space<vmem>>, vector<16xf32>,
    tpu.vector_store %arg11[%swap3A_520], %gather3A_519 {strides = array<i32>} : memref<1024xf32, #tpu.memory_space<vmem>>, vector<16xf32>,
    %get3A_522 = arith.constant 640 : index
    %get3A_523 = tpu.vector_load %arg7[%get3A_522] {strides = array<i32>} : memref<1024xi32, #tpu.memory_space<vmem>>, vector<16xi32>,
    %gather3A_524 = tpu.vector_load_idx %arg9[%get3A_523] : memref<1000xf32, #tpu.memory_space<vmem>>[vector<16xi32>], vector<16xf32>,
    %swap3A_525 = arith.constant 640 : index
    %swap3A_526 = tpu.vector_load %arg11[%swap3A_525] {strides = array<i32>} : memref<1024xf32, #tpu.memory_space<vmem>>, vector<16xf32>,
    tpu.vector_store %arg11[%swap3A_525], %gather3A_524 {strides = array<i32>} : memref<1024xf32, #tpu.memory_space<vmem>>, vector<16xf32>,
    %get3A_527 = arith.constant 656 : index
    %get3A_528 = tpu.vector_load %arg7[%get3A_527] {strides = array<i32>} : memref<1024xi32, #tpu.memory_space<vmem>>, vector<16xi32>,
    %gather3A_529 = tpu.vector_load_idx %arg9[%get3A_528] : memref<1000xf32, #tpu.memory_space<vmem>>[vector<16xi32>], vector<16xf32>,
    %swap3A_530 = arith.constant 656 : index
    %swap3A_531 = tpu.vector_load %arg11[%swap3A_530] {strides = array<i32>} : memref<1024xf32, #tpu.memory_space<vmem>>, vector<16xf32>,
    tpu.vector_store %arg11[%swap3A_530], %gather3A_529 {strides = array<i32>} : memref<1024xf32, #tpu.memory_space<vmem>>, vector<16xf32>,
    %get3A_532 = arith.constant 672 : index
    %get3A_533 = tpu.vector_load %arg7[%get3A_532] {strides = array<i32>} : memref<1024xi32, #tpu.memory_space<vmem>>, vector<16xi32>,
    %gather3A_534 = tpu.vector_load_idx %arg9[%get3A_533] : memref<1000xf32, #tpu.memory_space<vmem>>[vector<16xi32>], vector<16xf32>,
    %swap3A_535 = arith.constant 672 : index
    %swap3A_536 = tpu.vector_load %arg11[%swap3A_535] {strides = array<i32>} : memref<1024xf32, #tpu.memory_space<vmem>>, vector<16xf32>,
    tpu.vector_store %arg11[%swap3A_535], %gather3A_534 {strides = array<i32>} : memref<1024xf32, #tpu.memory_space<vmem>>, vector<16xf32>,
    %get3A_537 = arith.constant 688 : index
    %get3A_538 = tpu.vector_load %arg7[%get3A_537] {strides = array<i32>} : memref<1024xi32, #tpu.memory_space<vmem>>, vector<16xi32>,
    %gather3A_539 = tpu.vector_load_idx %arg9[%get3A_538] : memref<1000xf32, #tpu.memory_space<vmem>>[vector<16xi32>], vector<16xf32>,
    %swap3A_540 = arith.constant 688 : index
    %swap3A_541 = tpu.vector_load %arg11[%swap3A_540] {strides = array<i32>} : memref<1024xf32, #tpu.memory_space<vmem>>, vector<16xf32>,
    tpu.vector_store %arg11[%swap3A_540], %gather3A_539 {strides = array<i32>} : memref<1024xf32, #tpu.memory_space<vmem>>, vector<16xf32>,
    %get3A_542 = arith.constant 704 : index
    %get3A_543 = tpu.vector_load %arg7[%get3A_542] {strides = array<i32>} : memref<1024xi32, #tpu.memory_space<vmem>>, vector<16xi32>,
    %gather3A_544 = tpu.vector_load_idx %arg9[%get3A_543] : memref<1000xf32, #tpu.memory_space<vmem>>[vector<16xi32>], vector<16xf32>,
    %swap3A_545 = arith.constant 704 : index
    %swap3A_546 = tpu.vector_load %arg11[%swap3A_545] {strides = array<i32>} : memref<1024xf32, #tpu.memory_space<vmem>>, vector<16xf32>,
    tpu.vector_store %arg11[%swap3A_545], %gather3A_544 {strides = array<i32>} : memref<1024xf32, #tpu.memory_space<vmem>>, vector<16xf32>,
    %get3A_547 = arith.constant 720 : index
    %get3A_548 = tpu.vector_load %arg7[%get3A_547] {strides = array<i32>} : memref<1024xi32, #tpu.memory_space<vmem>>, vector<16xi32>,
    %gather3A_549 = tpu.vector_load_idx %arg9[%get3A_548] : memref<1000xf32, #tpu.memory_space<vmem>>[vector<16xi32>], vector<16xf32>,
    %swap3A_550 = arith.constant 720 : index
    %swap3A_551 = tpu.vector_load %arg11[%swap3A_550] {strides = array<i32>} : memref<1024xf32, #tpu.memory_space<vmem>>, vector<16xf32>,
    tpu.vector_store %arg11[%swap3A_550], %gather3A_549 {strides = array<i32>} : memref<1024xf32, #tpu.memory_space<vmem>>, vector<16xf32>,
    %get3A_552 = arith.constant 736 : index
    %get3A_553 = tpu.vector_load %arg7[%get3A_552] {strides = array<i32>} : memref<1024xi32, #tpu.memory_space<vmem>>, vector<16xi32>,
    %gather3A_554 = tpu.vector_load_idx %arg9[%get3A_553] : memref<1000xf32, #tpu.memory_space<vmem>>[vector<16xi32>], vector<16xf32>,
    %swap3A_555 = arith.constant 736 : index
    %swap3A_556 = tpu.vector_load %arg11[%swap3A_555] {strides = array<i32>} : memref<1024xf32, #tpu.memory_space<vmem>>, vector<16xf32>,
    tpu.vector_store %arg11[%swap3A_555], %gather3A_554 {strides = array<i32>} : memref<1024xf32, #tpu.memory_space<vmem>>, vector<16xf32>,
    %get3A_557 = arith.constant 752 : index
    %get3A_558 = tpu.vector_load %arg7[%get3A_557] {strides = array<i32>} : memref<1024xi32, #tpu.memory_space<vmem>>, vector<16xi32>,
    %gather3A_559 = tpu.vector_load_idx %arg9[%get3A_558] : memref<1000xf32, #tpu.memory_space<vmem>>[vector<16xi32>], vector<16xf32>,
    %swap3A_560 = arith.constant 752 : index
    %swap3A_561 = tpu.vector_load %arg11[%swap3A_560] {strides = array<i32>} : memref<1024xf32, #tpu.memory_space<vmem>>, vector<16xf32>,
    tpu.vector_store %arg11[%swap3A_560], %gather3A_559 {strides = array<i32>} : memref<1024xf32, #tpu.memory_space<vmem>>, vector<16xf32>,
    %get3A_562 = arith.constant 768 : index
    %get3A_563 = tpu.vector_load %arg7[%get3A_562] {strides = array<i32>} : memref<1024xi32, #tpu.memory_space<vmem>>, vector<16xi32>,
    %gather3A_564 = tpu.vector_load_idx %arg9[%get3A_563] : memref<1000xf32, #tpu.memory_space<vmem>>[vector<16xi32>], vector<16xf32>,
    %swap3A_565 = arith.constant 768 : index
    %swap3A_566 = tpu.vector_load %arg11[%swap3A_565] {strides = array<i32>} : memref<1024xf32, #tpu.memory_space<vmem>>, vector<16xf32>,
    tpu.vector_store %arg11[%swap3A_565], %gather3A_564 {strides = array<i32>} : memref<1024xf32, #tpu.memory_space<vmem>>, vector<16xf32>,
    %get3A_567 = arith.constant 784 : index
    %get3A_568 = tpu.vector_load %arg7[%get3A_567] {strides = array<i32>} : memref<1024xi32, #tpu.memory_space<vmem>>, vector<16xi32>,
    %gather3A_569 = tpu.vector_load_idx %arg9[%get3A_568] : memref<1000xf32, #tpu.memory_space<vmem>>[vector<16xi32>], vector<16xf32>,
    %swap3A_570 = arith.constant 784 : index
    %swap3A_571 = tpu.vector_load %arg11[%swap3A_570] {strides = array<i32>} : memref<1024xf32, #tpu.memory_space<vmem>>, vector<16xf32>,
    tpu.vector_store %arg11[%swap3A_570], %gather3A_569 {strides = array<i32>} : memref<1024xf32, #tpu.memory_space<vmem>>, vector<16xf32>,
    %get3A_572 = arith.constant 800 : index
    %get3A_573 = tpu.vector_load %arg7[%get3A_572] {strides = array<i32>} : memref<1024xi32, #tpu.memory_space<vmem>>, vector<16xi32>,
    %gather3A_574 = tpu.vector_load_idx %arg9[%get3A_573] : memref<1000xf32, #tpu.memory_space<vmem>>[vector<16xi32>], vector<16xf32>,
    %swap3A_575 = arith.constant 800 : index
    %swap3A_576 = tpu.vector_load %arg11[%swap3A_575] {strides = array<i32>} : memref<1024xf32, #tpu.memory_space<vmem>>, vector<16xf32>,
    tpu.vector_store %arg11[%swap3A_575], %gather3A_574 {strides = array<i32>} : memref<1024xf32, #tpu.memory_space<vmem>>, vector<16xf32>,
    %get3A_577 = arith.constant 816 : index
    %get3A_578 = tpu.vector_load %arg7[%get3A_577] {strides = array<i32>} : memref<1024xi32, #tpu.memory_space<vmem>>, vector<16xi32>,
    %gather3A_579 = tpu.vector_load_idx %arg9[%get3A_578] : memref<1000xf32, #tpu.memory_space<vmem>>[vector<16xi32>], vector<16xf32>,
    %swap3A_580 = arith.constant 816 : index
    %swap3A_581 = tpu.vector_load %arg11[%swap3A_580] {strides = array<i32>} : memref<1024xf32, #tpu.memory_space<vmem>>, vector<16xf32>,
    tpu.vector_store %arg11[%swap3A_580], %gather3A_579 {strides = array<i32>} : memref<1024xf32, #tpu.memory_space<vmem>>, vector<16xf32>,
    %get3A_582 = arith.constant 832 : index
    %get3A_583 = tpu.vector_load %arg7[%get3A_582] {strides = array<i32>} : memref<1024xi32, #tpu.memory_space<vmem>>, vector<16xi32>,
    %gather3A_584 = tpu.vector_load_idx %arg9[%get3A_583] : memref<1000xf32, #tpu.memory_space<vmem>>[vector<16xi32>], vector<16xf32>,
    %swap3A_585 = arith.constant 832 : index
    %swap3A_586 = tpu.vector_load %arg11[%swap3A_585] {strides = array<i32>} : memref<1024xf32, #tpu.memory_space<vmem>>, vector<16xf32>,
    tpu.vector_store %arg11[%swap3A_585], %gather3A_584 {strides = array<i32>} : memref<1024xf32, #tpu.memory_space<vmem>>, vector<16xf32>,
    %get3A_587 = arith.constant 848 : index
    %get3A_588 = tpu.vector_load %arg7[%get3A_587] {strides = array<i32>} : memref<1024xi32, #tpu.memory_space<vmem>>, vector<16xi32>,
    %gather3A_589 = tpu.vector_load_idx %arg9[%get3A_588] : memref<1000xf32, #tpu.memory_space<vmem>>[vector<16xi32>], vector<16xf32>,
    %swap3A_590 = arith.constant 848 : index
    %swap3A_591 = tpu.vector_load %arg11[%swap3A_590] {strides = array<i32>} : memref<1024xf32, #tpu.memory_space<vmem>>, vector<16xf32>,
    tpu.vector_store %arg11[%swap3A_590], %gather3A_589 {strides = array<i32>} : memref<1024xf32, #tpu.memory_space<vmem>>, vector<16xf32>,
    %get3A_592 = arith.constant 864 : index
    %get3A_593 = tpu.vector_load %arg7[%get3A_592] {strides = array<i32>} : memref<1024xi32, #tpu.memory_space<vmem>>, vector<16xi32>,
    %gather3A_594 = tpu.vector_load_idx %arg9[%get3A_593] : memref<1000xf32, #tpu.memory_space<vmem>>[vector<16xi32>], vector<16xf32>,
    %swap3A_595 = arith.constant 864 : index
    %swap3A_596 = tpu.vector_load %arg11[%swap3A_595] {strides = array<i32>} : memref<1024xf32, #tpu.memory_space<vmem>>, vector<16xf32>,
    tpu.vector_store %arg11[%swap3A_595], %gather3A_594 {strides = array<i32>} : memref<1024xf32, #tpu.memory_space<vmem>>, vector<16xf32>,
    %get3A_597 = arith.constant 880 : index
    %get3A_598 = tpu.vector_load %arg7[%get3A_597] {strides = array<i32>} : memref<1024xi32, #tpu.memory_space<vmem>>, vector<16xi32>,
    %gather3A_599 = tpu.vector_load_idx %arg9[%get3A_598] : memref<1000xf32, #tpu.memory_space<vmem>>[vector<16xi32>], vector<16xf32>,
    %swap3A_600 = arith.constant 880 : index
    %swap3A_601 = tpu.vector_load %arg11[%swap3A_600] {strides = array<i32>} : memref<1024xf32, #tpu.memory_space<vmem>>, vector<16xf32>,
    tpu.vector_store %arg11[%swap3A_600], %gather3A_599 {strides = array<i32>} : memref<1024xf32, #tpu.memory_space<vmem>>, vector<16xf32>,
    %get3A_602 = arith.constant 896 : index
    %get3A_603 = tpu.vector_load %arg7[%get3A_602] {strides = array<i32>} : memref<1024xi32, #tpu.memory_space<vmem>>, vector<16xi32>,
    %gather3A_604 = tpu.vector_load_idx %arg9[%get3A_603] : memref<1000xf32, #tpu.memory_space<vmem>>[vector<16xi32>], vector<16xf32>,
    %swap3A_605 = arith.constant 896 : index
    %swap3A_606 = tpu.vector_load %arg11[%swap3A_605] {strides = array<i32>} : memref<1024xf32, #tpu.memory_space<vmem>>, vector<16xf32>,
    tpu.vector_store %arg11[%swap3A_605], %gather3A_604 {strides = array<i32>} : memref<1024xf32, #tpu.memory_space<vmem>>, vector<16xf32>,
    %get3A_607 = arith.constant 912 : index
    %get3A_608 = tpu.vector_load %arg7[%get3A_607] {strides = array<i32>} : memref<1024xi32, #tpu.memory_space<vmem>>, vector<16xi32>,
    %gather3A_609 = tpu.vector_load_idx %arg9[%get3A_608] : memref<1000xf32, #tpu.memory_space<vmem>>[vector<16xi32>], vector<16xf32>,
    %swap3A_610 = arith.constant 912 : index
    %swap3A_611 = tpu.vector_load %arg11[%swap3A_610] {strides = array<i32>} : memref<1024xf32, #tpu.memory_space<vmem>>, vector<16xf32>,
    tpu.vector_store %arg11[%swap3A_610], %gather3A_609 {strides = array<i32>} : memref<1024xf32, #tpu.memory_space<vmem>>, vector<16xf32>,
    %get3A_612 = arith.constant 928 : index
    %get3A_613 = tpu.vector_load %arg7[%get3A_612] {strides = array<i32>} : memref<1024xi32, #tpu.memory_space<vmem>>, vector<16xi32>,
    %gather3A_614 = tpu.vector_load_idx %arg9[%get3A_613] : memref<1000xf32, #tpu.memory_space<vmem>>[vector<16xi32>], vector<16xf32>,
    %swap3A_615 = arith.constant 928 : index
    %swap3A_616 = tpu.vector_load %arg11[%swap3A_615] {strides = array<i32>} : memref<1024xf32, #tpu.memory_space<vmem>>, vector<16xf32>,
    tpu.vector_store %arg11[%swap3A_615], %gather3A_614 {strides = array<i32>} : memref<1024xf32, #tpu.memory_space<vmem>>, vector<16xf32>,
    %get3A_617 = arith.constant 944 : index
    %get3A_618 = tpu.vector_load %arg7[%get3A_617] {strides = array<i32>} : memref<1024xi32, #tpu.memory_space<vmem>>, vector<16xi32>,
    %gather3A_619 = tpu.vector_load_idx %arg9[%get3A_618] : memref<1000xf32, #tpu.memory_space<vmem>>[vector<16xi32>], vector<16xf32>,
    %swap3A_620 = arith.constant 944 : index
    %swap3A_621 = tpu.vector_load %arg11[%swap3A_620] {strides = array<i32>} : memref<1024xf32, #tpu.memory_space<vmem>>, vector<16xf32>,
    tpu.vector_store %arg11[%swap3A_620], %gather3A_619 {strides = array<i32>} : memref<1024xf32, #tpu.memory_space<vmem>>, vector<16xf32>,
    %get3A_622 = arith.constant 960 : index
    %get3A_623 = tpu.vector_load %arg7[%get3A_622] {strides = array<i32>} : memref<1024xi32, #tpu.memory_space<vmem>>, vector<16xi32>,
    %gather3A_624 = tpu.vector_load_idx %arg9[%get3A_623] : memref<1000xf32, #tpu.memory_space<vmem>>[vector<16xi32>], vector<16xf32>,
    %swap3A_625 = arith.constant 960 : index
    %swap3A_626 = tpu.vector_load %arg11[%swap3A_625] {strides = array<i32>} : memref<1024xf32, #tpu.memory_space<vmem>>, vector<16xf32>,
    tpu.vector_store %arg11[%swap3A_625], %gather3A_624 {strides = array<i32>} : memref<1024xf32, #tpu.memory_space<vmem>>, vector<16xf32>,
    %get3A_627 = arith.constant 976 : index
    %get3A_628 = tpu.vector_load %arg7[%get3A_627] {strides = array<i32>} : memref<1024xi32, #tpu.memory_space<vmem>>, vector<16xi32>,
    %gather3A_629 = tpu.vector_load_idx %arg9[%get3A_628] : memref<1000xf32, #tpu.memory_space<vmem>>[vector<16xi32>], vector<16xf32>,
    %swap3A_630 = arith.constant 976 : index
    %swap3A_631 = tpu.vector_load %arg11[%swap3A_630] {strides = array<i32>} : memref<1024xf32, #tpu.memory_space<vmem>>, vector<16xf32>,
    tpu.vector_store %arg11[%swap3A_630], %gather3A_629 {strides = array<i32>} : memref<1024xf32, #tpu.memory_space<vmem>>, vector<16xf32>,
    %get3A_632 = arith.constant 992 : index
    %get3A_633 = tpu.vector_load %arg7[%get3A_632] {strides = array<i32>} : memref<1024xi32, #tpu.memory_space<vmem>>, vector<16xi32>,
    %gather3A_634 = tpu.vector_load_idx %arg9[%get3A_633] : memref<1000xf32, #tpu.memory_space<vmem>>[vector<16xi32>], vector<16xf32>,
    %swap3A_635 = arith.constant 992 : index
    %swap3A_636 = tpu.vector_load %arg11[%swap3A_635] {strides = array<i32>} : memref<1024xf32, #tpu.memory_space<vmem>>, vector<16xf32>,
    tpu.vector_store %arg11[%swap3A_635], %gather3A_634 {strides = array<i32>} : memref<1024xf32, #tpu.memory_space<vmem>>, vector<16xf32>,
    %get3A_637 = arith.constant 1008 : index
    %get3A_638 = tpu.vector_load %arg7[%get3A_637] {strides = array<i32>} : memref<1024xi32, #tpu.memory_space<vmem>>, vector<16xi32>,
    %gather3A_639 = tpu.vector_load_idx %arg9[%get3A_638] : memref<1000xf32, #tpu.memory_space<vmem>>[vector<16xi32>], vector<16xf32>,
    %swap3A_640 = arith.constant 1008 : index
    %swap3A_641 = tpu.vector_load %arg11[%swap3A_640] {strides = array<i32>} : memref<1024xf32, #tpu.memory_space<vmem>>, vector<16xf32>,
    tpu.vector_store %arg11[%swap3A_640], %gather3A_639 {strides = array<i32>} : memref<1024xf32, #tpu.memory_space<vmem>>, vector<16xf32>,
    %dma_start3A_642 = tpu.memref_slice %arg6[%mul3A_0] : memref<16384xf32, #tpu.memory_space<hbm>> -> memref<1024xf32, #tpu.memory_space<hbm>>
    %dma_start3A_643 = tpu.memref_slice %arg6[%mul3A_0] : memref<16384xf32, #tpu.memory_space<hbm>> -> memref<1024xf32, #tpu.memory_space<hbm>>
    tpu.enqueue_dma source(%arg11 : memref<1024xf32, #tpu.memory_space<vmem>>) target(%dma_start3A_643 : memref<1024xf32, #tpu.memory_space<hbm>>) target_semaphore(%arg12 : memref<!tpu.dma_semaphore, #tpu.memory_space<semaphore_mem>>)
    %dma_wait3A_644 = tpu.memref_slice %arg5[%mul3A_0] : memref<16384xf32, #tpu.memory_space<hbm>> -> memref<1024xf32, #tpu.memory_space<hbm>>
    %dma_wait3A_645 = tpu.memref_slice %arg5[%mul3A_0] : memref<16384xf32, #tpu.memory_space<hbm>> -> memref<1024xf32, #tpu.memory_space<hbm>>
    tpu.wait_dma2 semaphore(%arg12 : memref<!tpu.dma_semaphore, #tpu.memory_space<semaphore_mem>>) src(%arg10 : memref<1024xf32, #tpu.memory_space<vmem>>) dst(%dma_wait3A_645 : memref<1024xf32, #tpu.memory_space<hbm>>)
    %dma_wait3A_646 = tpu.memref_slice %arg6[%mul3A_0] : memref<16384xf32, #tpu.memory_space<hbm>> -> memref<1024xf32, #tpu.memory_space<hbm>>
    %dma_wait3A_647 = tpu.memref_slice %arg6[%mul3A_0] : memref<16384xf32, #tpu.memory_space<hbm>> -> memref<1024xf32, #tpu.memory_space<hbm>>
    tpu.wait_dma2 semaphore(%arg12 : memref<!tpu.dma_semaphore, #tpu.memory_space<semaphore_mem>>) src(%arg11 : memref<1024xf32, #tpu.memory_space<vmem>>) dst(%dma_wait3A_647 : memref<1024xf32, #tpu.memory_space<hbm>>)
    return
  }
}

</mosaic_0001>

<sc_bundles>
// kernel: kernel.3.cloned.1.call-start
scs
__scs_entry_jumppad:
0x0: {  	(pc) =	sbr.rel $0x88, $3  }
0x1: {  	(tag) =	ssettag $0x0;
	lr =	simm.s32 $0x1  }
0x2: {  	[smem:$0x3F9E] =	sst lr;
	_ =	strace $0xD0000000  }
0x3: {  	_ = 	snop  }
0x4: {  	_ = 	snop  }
0x5: {  	_ = 	snop  }
0x6: {  	_ = 	snop  }
0x7: {  	_ = 	snop  }
__scs_overlays_trampoline_lowered:
0x8: {  	[smem:$0x3FAD] =	sst s0  }
0x9: {  	[smem:$0x3FAE] =	sst s1  }
0xa: {  	[smem:$0x3FAF] =	sst s2  }
0xb: {  	[smem:$0x3FB0] =	sst s3  }
0xc: {  	[smem:$0x3FB1] =	sst s4  }
0xd: {  	[smem:$0x3FB2] =	sst s5  }
0xe: {  	[smem:$0x3FB3] =	sst s6  }
0xf: {  	[smem:$0x3FB4] =	sst s7  }
0x10: {  	[smem:$0x3FB5] =	sst s8  }
0x11: {  	[smem:$0x3FB6] =	sst s9;
	s0 =	simm.s32 @!p0 $0x0  }
0x12: {  	s1 =	sld [smem:$0x3F9C];
	s0 =	simm.s32 @p0 $0x1  }
0x13: {  	[smem:$0x3FB7] =	sst s0;
	s0 =	simm.s32 @!p1 $0x0  }
0x14: {  	s2 =	sld [smem:$0x3F9B];
	s0 =	simm.s32 @p1 $0x1  }
0x15: {  	[smem:$0x3FB8] =	sst s0;
	s0 =	simm.s32 @!p2 $0x0  }
0x16: {  	s3 =	sld [smem:$0x3FDB];
	s0 =	simm.s32 @p2 $0x1  }
0x17: {  	s4 =	simm.s32 $0x1BF5;
	[smem:$0x3FBA] =	sst s0  }
0x18: {  	s0 =	sld [smem:$0x3F9D];
	_ =	swait.ge [sflag:s4], $0x0  }
0x19: {  	s7 =	sld [smem:$0x3F9E]  }
0x1a: {  	s8 =	sadd.s32 $0xFFFFE003, lr  }
0x1b: {  	s9 =	sadd.s32 $0xFFFFFEF7, lr;
	s5 =	simm.s32 $0xFFFFFFFF;
	p2 =	slt.u32 s8, $0xFFFFF086  }
0x1c: {  	p1 =	slt.u32 s9, $0xF7A;
	s5 =	simm.s32 @!p2 $0x0  }
0x1d: {  	s5 =	simm.s32 @p1 $0x1;
	p0 =	seq.s32 s7, s2  }
0x1e: {  	s7 =	smul.u32 @!p0 $0xF7A, s2;
	p2 =	seq.s32 @!p0 s5, $0x0  }
0x1f: {  	s9 =	smul.u32 $0xF7A, s1;
	s8 =	simm.s32 @!p0 $0x1BF5;
	p2 =	por !p2, p0  }
0x20: {  	[sflag:s8] =	ssyncset.s32 @!p0 $0xFFFFF086;
	s6 =	sadd.s32 @!p0 s3, s7;
	s7 =	simm.s32 @!p0 $0x108  }
0x21: {  	s3 =	sadd.s32 s3, s9;
	s6 =	sadd.s32 @!p0 $0x88, s6;
	s7 =	simm.s32 @p2 $0x1082  }
0x22: {  	[simem:s7], [sflag:s8] =	dma.local @!p0 [hbm:s6], $0xF7A  }
0x23: {  	s9 =	sor.u32 $0xD0000000, s2;
	s6 =	simm.s32 $0x108;
	_ =	swait.ge @!p0 [sflag:s8], $0x0  }
0x24: {  	s3 =	sadd.s32 $0x88, s3;
	s6 =	simm.s32 @!p1 $0x1082;
	[sflag:s4] =	ssyncset.s32 $0xFFFFF086  }
0x25: {  	[simem:s6], [sflag:s4] =	dma.local [hbm:s3], $0xF7A  }
0x26: {  	[smem:$0x3F9E] =	sst s1;
	(tag) =	ssettag s2;
	_ =	strace s9  }
0x27: {  	s1 =	sld [smem:$0x3FAE]  }
0x28: {  	s2 =	sld [smem:$0x3FAF]  }
0x29: {  	s4 =	sld [smem:$0x3FB1]  }
0x2a: {  	p0 =	seq.s32 s5, $0x0;
	s5 =	sld [smem:$0x3FB2]  }
0x2b: {  	s6 =	sld [smem:$0x3FB3]  }
0x2c: {  	s7 =	sld [smem:$0x3FB4]  }
0x2d: {  	s3 =	simm.s32 $0x108;
	s8 =	sld [smem:$0x3FB5]  }
0x2e: {  	s3 =	simm.s32 @!p0 $0x1082;
	s9 =	sld [smem:$0x3FB6]  }
0x2f: {  	lr =	sadd.s32 s0, s3;
	s0 =	sld [smem:$0x3FAD]  }
0x30: {  	s3 =	sld [smem:$0x3FB0]  }
0x31: {  	[smem:$0x3FB9] =	sst s10  }
0x32: {  	s10 =	sld [smem:$0x3FB7];
	_ =	sdelay $0x3  }
0x33: {  	p0 =	seq.s32 s10, $0x1;
	s10 =	sld [smem:$0x3FB9];
	_ =	sdelay $0x3  }
0x34: {  	[smem:$0x3FB9] =	sst s10  }
0x35: {  	s10 =	sld [smem:$0x3FB8];
	_ =	sdelay $0x3  }
0x36: {  	p1 =	seq.s32 s10, $0x1;
	s10 =	sld [smem:$0x3FB9];
	_ =	sdelay $0x3  }
0x37: {  	[smem:$0x3FB9] =	sst s10  }
0x38: {  	s10 =	sld [smem:$0x3FBA]  }
0x39: {  	_ = 	snop;
	(pc) =	sbr.ind lr, $3  }
0x3a: {  	_ = 	snop  }
0x3b: {  	_ = 	snop  }
0x3c: {  	p2 =	seq.s32 s10, $0x1;
	s10 =	sld [smem:$0x3FB9]  }
0x3d: {  	_ =	shalt  }
0x3e: {  	_ =	shalt  }
0x3f: {  	_ =	shalt  }
0x40: {  	_ =	shalt  }
0x41: {  	_ =	shalt  }
0x42: {  	_ =	shalt  }
0x43: {  	_ =	shalt  }
0x44: {  	_ =	shalt  }
0x45: {  	_ =	shalt  }
0x46: {  	_ =	shalt  }
0x47: {  	_ =	shalt  }
0x48: {  	_ =	shalt  }
0x49: {  	_ =	shalt  }
0x4a: {  	_ =	shalt  }
0x4b: {  	_ =	shalt  }
0x4c: {  	_ =	shalt  }
0x4d: {  	_ =	shalt  }
0x4e: {  	_ =	shalt  }
0x4f: {  	_ =	shalt  }
0x50: {  	_ =	shalt  }
0x51: {  	_ =	shalt  }
0x52: {  	_ =	shalt  }
0x53: {  	_ =	shalt  }
0x54: {  	_ =	shalt  }
0x55: {  	_ =	shalt  }
0x56: {  	_ =	shalt  }
0x57: {  	_ =	shalt  }
0x58: {  	_ =	shalt  }
0x59: {  	_ =	shalt  }
0x5a: {  	_ =	shalt  }
0x5b: {  	_ =	shalt  }
0x5c: {  	_ =	shalt  }
0x5d: {  	_ =	shalt  }
0x5e: {  	_ =	shalt  }
0x5f: {  	_ =	shalt  }
0x60: {  	_ =	shalt  }
0x61: {  	_ =	shalt  }
0x62: {  	_ =	shalt  }
0x63: {  	_ =	shalt  }
0x64: {  	_ =	shalt  }
0x65: {  	_ =	shalt  }
0x66: {  	_ =	shalt  }
0x67: {  	_ =	shalt  }
0x68: {  	_ =	shalt  }
0x69: {  	_ =	shalt  }
0x6a: {  	_ =	shalt  }
0x6b: {  	_ =	shalt  }
0x6c: {  	_ =	shalt  }
0x6d: {  	_ =	shalt  }
0x6e: {  	_ =	shalt  }
0x6f: {  	_ =	shalt  }
0x70: {  	_ =	shalt  }
0x71: {  	_ =	shalt  }
0x72: {  	_ =	shalt  }
0x73: {  	_ =	shalt  }
0x74: {  	_ =	shalt  }
0x75: {  	_ =	shalt  }
0x76: {  	_ =	shalt  }
0x77: {  	_ =	shalt  }
0x78: {  	_ =	shalt  }
0x79: {  	_ =	shalt  }
0x7a: {  	_ =	shalt  }
0x7b: {  	_ =	shalt  }
0x7c: {  	_ =	shalt  }
0x7d: {  	_ =	shalt  }
0x7e: {  	_ =	shalt  }
0x7f: {  	_ =	shalt  }
0x80: {  	_ =	shalt  }
0x81: {  	_ =	shalt  }
0x82: {  	_ =	shalt  }
0x83: {  	_ =	shalt  }
0x84: {  	_ =	shalt  }
0x85: {  	_ =	shalt  }
0x86: {  	_ =	shalt  }
0x87: {  	_ =	shalt  }
.Lfunc_end0:
.L_simem_size_0:
called_computation_lowered:
.L_overlay_start_0:
0x88: {  	s0 =	sld [smem:$0x3FD9]  }
0x89: {  	s1 =	sld [smem:$0x3FFE];
	_ =	sdelay $0x3  }
0x8a: {  	s0 =	sadd.s32 s1, s0  }
0x8b: {  	[smem:$0x3FC5] =	sst s0  }
0x8c: {  	_ = 	snop  }
0x8d: {  	s0 =	sld [smem:$0x3FD0]  }
0x8e: {  	s14 =	sld [smem:$0x3FC9]  }
0x8f: {  	s2 =	sld [smem:$0x3FC8]  }
0x90: {  	s4 =	simm.s32 $0xA;
	s5 =	simm.s32 $0x10;
	s3 =	sld [smem:$0x3FC7]  }
0x91: {  	[smem:s5], [sflag:s4] =	dma.local [hbm:s0], $0x1  }
0x92: {  	_ =	swait.eq [sflag:s4], $0x1  }
0x93: {  	[sflag:s4] =	ssyncset.done $0x0  }
0x94: {  	s15 =	sld [smem:$0x10];
	[sflag:s4] =	ssyncadd.s32 $0xFFFFFFFF  }
0x95: {  	s16 =	sld [smem:$0x11];
	(tm) =	ssettm $0x1  }
0x96: {  	s17 =	sld [smem:$0x3FFB];
	_ =	sdelay $0x3  }
0x97: {  	_ =	strace s17  }
0x98: {  	s5 =	sld [smem:$0x3FFC];
	_ =	sdelay $0x3  }
0x99: {  	_ =	strace s5  }
0x9a: {  	s5 =	sld [smem:$0x3FFD];
	_ =	sdelay $0x3  }
0x9b: {  	_ =	strace s5  }
0x9c: {  	_ =	strace $0x8FFFFFFF  }
0x9d: {  	s18 =	sld [smem:$0x3FDB];
	_ =	sdelay $0x1  }
0x9e: {  	s6 =	simm.s32 $_scs_section_size  }
0x9f: {  	s7 =	simm.s32 $_size__tile_overlayer_lowered;
	s8 =	simm.s32 $_tile_overlayer_lowered  }
0xa0: {  	s21 =	simm.s32 $0x1BFF;
	s20 =	sshll.u32 s8, $0x1;
	s5 =	sadd.s32 s6, s18  }
0xa1: {  	s9 =	simm.s32 $0x0;
	s19 =	sshll.u32 s7, $0x1;
	s7 =	sadd.s32 s20, s5  }
0xa2: {  	[timem:s9], [sflag:s21] =	dma.local [hbm:s7], s19  }
0xa3: {  	_ =	swait.ge [sflag:s21], s19  }
0xa4: {  	s6 =	ssub.s32 $0x0, s19;
	[sflag:s21] =	ssyncset.done $0x0  }
0xa5: {  	[sflag:s21] =	ssyncadd.s32 s6;
	_ =	sdelay $0x1  }
0xa6: {  	s22 =	simm.s32 $0x1B8B  }
0xa7: {  	_ =	swait.ge [sflag:s22], $0x1  }
0xa8: {  	[sflag:s22] =	ssyncset.done $0x0  }
0xa9: {  	s23 =	simm.s32 $0x1B8E;
	[sflag:s22] =	ssyncadd.s32 $0xFFFFFFFF  }
0xaa: {  	s24 =	simm.s32 $execute0_lowered;
	[smem:$0x3FD2] =	sst s23  }
0xab: {  	s6 =	sshll.u32 s24, $0x1;
	_ =	strace $0x80000046;
	[dreg:$0x1] =	wrdreg $0xFFFFFFFF  }
0xac: {  	s25 =	simm.s32 $_size_execute0_lowered;
	s5 =	sadd.s32 s5, s6;
	[dreg:$0x0] =	wrdreg $0x0  }
0xad: {  	s6 =	sshll.u32 s25, $0x1;
	[dreg:$0x2] =	wrdreg s5  }
0xae: {  	[dreg:$0x3] =	wrdreg s6  }
0xaf: {  	[dreg:$0x4] =	wrdreg $0xC0  }
0xb0: {  	_ =	task [dreg:s9], $0x5FFFF  }
0xb1: {  	[dreg:$0x1] =	wrdreg $0xFFFFFFFF  }
0xb2: {  	[dreg:$0x0] =	wrdreg $0x60  }
0xb3: {  	[dreg:$0x2] =	wrdreg s14  }
0xb4: {  	[dreg:$0x3] =	wrdreg s2  }
0xb5: {  	[dreg:$0x4] =	wrdreg s3  }
0xb6: {  	[dreg:$0x5] =	wrdreg s15  }
0xb7: {  	[dreg:$0x6] =	wrdreg s16  }
0xb8: {  	[dreg:$0x7] =	wrdreg $0x9  }
0xb9: {  	_ =	task.clear_ibuf [dreg:s9], $0x8FFFF;
	_ =	strace $0x90000046  }
0xba: {  	s26 =	simm.s32 $0x9;
	_ =	strace $0x80000048  }
0xbb: {  	_ =	swait.ge [sflag:s26], $0x1  }
0xbc: {  	[sflag:s26] =	ssyncadd.s32 $0xFFFFFFFF  }
0xbd: {  	_ =	strace $0x90000048  }
0xbe: {  	_ =	sfence  }
0xbf: {  	s28 =	sld [smem:$0x0];
	_ =	sdelay $0x1  }
0xc0: {  	s29 =	srdreg.scid  }
0xc1: {  	s30 =	sshll.u32 s29, $0xD;
	s31 =	sshrl.u32 s29, $0x2  }
0xc2: {  	s1 =	sand.u32 $0x1, s29;
	s2 =	sand.u32 $0x4000, s30;
	s0 =	sadd.s32 s31, s28  }
0xc3: {  	s1 =	sor.u32 s2, s1;
	s0 =	sshll.u32 s0, $0x11  }
0xc4: {  	s0 =	sor.u32 s0, s1  }
0xc5: {  	s0 =	sadd.s32 $0x8F2B, s0  }
0xc6: {  	[sflag:s0] =	ssyncadd.remote.s32 $0x1  }
0xc7: {  	_ =	sfence.sel $0xFFFF  }
0xc8: {  	[dreg:$0x0] =	wrdreg $0xFFFFFFFF;
	(pc) =	sbr.abs _section_cstart, $3  }
0xc9: {  	[dreg:$0x1] =	wrdreg $0xFFFFFFFF  }
0xca: {  	_ =	task.clear_ibuf [dreg:s9], $0x2FFFF;
	_ =	strace $0x9FFFFFFF  }
0xcb: {  	(tm) =	ssettm $0x7FFFFFFF  }
tec
execute0_lowered:
.L_overlay_start_1:
0x0: {  	(tag) =	ssettag $0x1  }
0x1: {  	s4 =	rddreg [dreg:$0x0]  }
0x2: {  	s6 =	rddreg [dreg:$0x1]  }
0x3: {  	s9 =	rddreg [dreg:$0x2]  }
0x4: {  	s7 =	rddreg [dreg:$0x3]  }
0x5: {  	s3 =	rddreg [dreg:$0x4];
	s2 =	simm.s32 $0x0;
	s1 =	stileid.u32  }
0x6: {  	[smem:$0x7FF] =	sst s2;
	s5 =	sshll.u32 s1, $0x7  }
0x7: {  	s0 =	rddreg [dreg:$0x5];
	_ =	strace $0x80000047;
	s4 =	sadd.s32 s4, s5  }
0x8: {  	[tilespmem:s2], [sflag:$0x1] =	stream.linear.gather [hbm4b:s4+s2], $0x400, $0x38;
	[tilespmem:$0x1400] =	vst v63  }
0x9: {  	s8 =	simm.s32 $0x400  }
0xa: {  	[tilespmem:s8], [sflag:$0x1] =	stream.linear.gather [hbm4b:s6+s2], $0x400, $0x38;
	[tilespmem:$0x1400] =	vst v63  }
0xb: {  	s28 =	simm.s32 $0x800;
	s29 =	simm.s32 $0x1  }
0xc: {  	[tilespmem:s28], [sflag:$0x1] =	stream.linear.gather [hbm4b:s9+s2], $0x400, $0x38;
	[tilespmem:$0x1400] =	vst v63  }
0xd: {  	_ =	swait.ge [sflag:s29], $0x400  }
0xe: {  	[sflag:s29] =	ssyncset.done $0x0  }
0xf: {  	[sflag:s29] =	ssyncadd.s32 $0xFFFFFC00  }
0x10: {  	_ =	swait.ge [sflag:s29], $0x400  }
0x11: {  	[sflag:s29] =	ssyncset.done $0x0  }
0x12: {  	[sflag:s29] =	ssyncadd.s32 $0xFFFFFC00  }
0x13: {  	_ =	swait.ge [sflag:s29], $0x400  }
0x14: {  	[sflag:s29] =	ssyncset.done $0x0  }
0x15: {  	[sflag:s29] =	ssyncadd.s32 $0xFFFFFC00  }
0x16: {  	v0 =	vld [tilespmem:$0x0];
	_ =	sdelay $0x5  }
0x17: {  	v1 =	vld [tilespmem:$0x10];
	_ =	sdelay $0x1  }
0x18: {  	v0 =	vld.idx.msk [tilespmem:v0+s8+$0x0], $0xffff;
	_ =	sdelay $0x3  }
0x19: {  	v2 =	vld [tilespmem:$0x20]  }
0x1a: {  	[tilespmem:$0xC00] =	vst v0  }
0x1b: {  	v0 =	vld.idx.msk [tilespmem:v1+s8+$0x0], $0xffff;
	_ =	sdelay $0x3  }
0x1c: {  	v59 =	vld [tilespmem:$0x30]  }
0x1d: {  	[tilespmem:$0xC10] =	vst v0  }
0x1e: {  	v0 =	vld.idx.msk [tilespmem:v2+s8+$0x0], $0xffff;
	_ =	sdelay $0x3  }
0x1f: {  	v60 =	vld [tilespmem:$0x40]  }
0x20: {  	[tilespmem:$0xC20] =	vst v0  }
0x21: {  	v0 =	vld.idx.msk [tilespmem:v59+s8+$0x0], $0xffff;
	_ =	sdelay $0x3  }
0x22: {  	v61 =	vld [tilespmem:$0x50]  }
0x23: {  	[tilespmem:$0xC30] =	vst v0  }
0x24: {  	v0 =	vld.idx.msk [tilespmem:v60+s8+$0x0], $0xffff;
	_ =	sdelay $0x3  }
0x25: {  	v62 =	vld [tilespmem:$0x60]  }
0x26: {  	[tilespmem:$0xC40] =	vst v0  }
0x27: {  	v0 =	vld.idx.msk [tilespmem:v61+s8+$0x0], $0xffff;
	_ =	sdelay $0x3  }
0x28: {  	v63 =	vld [tilespmem:$0x70]  }
0x29: {  	[tilespmem:$0xC50] =	vst v0  }
0x2a: {  	v0 =	vld.idx.msk [tilespmem:v62+s8+$0x0], $0xffff;
	_ =	sdelay $0x3  }
0x2b: {  	v4 =	vld [tilespmem:$0x80]  }
0x2c: {  	[tilespmem:$0xC60] =	vst v0  }
0x2d: {  	v0 =	vld.idx.msk [tilespmem:v63+s8+$0x0], $0xffff;
	_ =	sdelay $0x3  }
0x2e: {  	v5 =	vld [tilespmem:$0x90]  }
0x2f: {  	[tilespmem:$0xC70] =	vst v0  }
0x30: {  	v0 =	vld.idx.msk [tilespmem:v4+s8+$0x0], $0xffff;
	_ =	sdelay $0x3  }
0x31: {  	v6 =	vld [tilespmem:$0xA0]  }
0x32: {  	[tilespmem:$0xC80] =	vst v0  }
0x33: {  	v0 =	vld.idx.msk [tilespmem:v5+s8+$0x0], $0xffff;
	_ =	sdelay $0x3  }
0x34: {  	v7 =	vld [tilespmem:$0xB0]  }
0x35: {  	[tilespmem:$0xC90] =	vst v0  }
0x36: {  	v0 =	vld.idx.msk [tilespmem:v6+s8+$0x0], $0xffff;
	_ =	sdelay $0x3  }
0x37: {  	v8 =	vld [tilespmem:$0xC0]  }
0x38: {  	[tilespmem:$0xCA0] =	vst v0  }
0x39: {  	v0 =	vld.idx.msk [tilespmem:v7+s8+$0x0], $0xffff;
	_ =	sdelay $0x3  }
0x3a: {  	v9 =	vld [tilespmem:$0xD0]  }
0x3b: {  	[tilespmem:$0xCB0] =	vst v0  }
0x3c: {  	v0 =	vld.idx.msk [tilespmem:v8+s8+$0x0], $0xffff;
	_ =	sdelay $0x3  }
0x3d: {  	v10 =	vld [tilespmem:$0xE0]  }
0x3e: {  	[tilespmem:$0xCC0] =	vst v0  }
0x3f: {  	v0 =	vld.idx.msk [tilespmem:v9+s8+$0x0], $0xffff;
	_ =	sdelay $0x3  }
0x40: {  	v11 =	vld [tilespmem:$0xF0]  }
0x41: {  	[tilespmem:$0xCD0] =	vst v0  }
0x42: {  	v0 =	vld.idx.msk [tilespmem:v10+s8+$0x0], $0xffff;
	_ =	sdelay $0x3  }
0x43: {  	v12 =	vld [tilespmem:$0x100]  }
0x44: {  	[tilespmem:$0xCE0] =	vst v0  }
0x45: {  	v0 =	vld.idx.msk [tilespmem:v11+s8+$0x0], $0xffff;
	_ =	sdelay $0x3  }
0x46: {  	v13 =	vld [tilespmem:$0x110]  }
0x47: {  	[tilespmem:$0xCF0] =	vst v0  }
0x48: {  	v0 =	vld.idx.msk [tilespmem:v12+s8+$0x0], $0xffff;
	_ =	sdelay $0x3  }
0x49: {  	v14 =	vld [tilespmem:$0x120]  }
0x4a: {  	[tilespmem:$0xD00] =	vst v0  }
0x4b: {  	v0 =	vld.idx.msk [tilespmem:v13+s8+$0x0], $0xffff;
	_ =	sdelay $0x3  }
0x4c: {  	v15 =	vld [tilespmem:$0x130]  }
0x4d: {  	[tilespmem:$0xD10] =	vst v0  }
0x4e: {  	v0 =	vld.idx.msk [tilespmem:v14+s8+$0x0], $0xffff;
	_ =	sdelay $0x3  }
0x4f: {  	v16 =	vld [tilespmem:$0x140]  }
0x50: {  	[tilespmem:$0xD20] =	vst v0  }
0x51: {  	v0 =	vld.idx.msk [tilespmem:v15+s8+$0x0], $0xffff;
	_ =	sdelay $0x3  }
0x52: {  	v17 =	vld [tilespmem:$0x150]  }
0x53: {  	[tilespmem:$0xD30] =	vst v0  }
0x54: {  	v0 =	vld.idx.msk [tilespmem:v16+s8+$0x0], $0xffff;
	_ =	sdelay $0x3  }
0x55: {  	v18 =	vld [tilespmem:$0x160]  }
0x56: {  	[tilespmem:$0xD40] =	vst v0  }
0x57: {  	v0 =	vld.idx.msk [tilespmem:v17+s8+$0x0], $0xffff;
	_ =	sdelay $0x3  }
0x58: {  	v19 =	vld [tilespmem:$0x170]  }
0x59: {  	[tilespmem:$0xD50] =	vst v0  }
0x5a: {  	v0 =	vld.idx.msk [tilespmem:v18+s8+$0x0], $0xffff;
	_ =	sdelay $0x3  }
0x5b: {  	v20 =	vld [tilespmem:$0x180]  }
0x5c: {  	[tilespmem:$0xD60] =	vst v0  }
0x5d: {  	v0 =	vld.idx.msk [tilespmem:v19+s8+$0x0], $0xffff;
	_ =	sdelay $0x3  }
0x5e: {  	v21 =	vld [tilespmem:$0x190]  }
0x5f: {  	[tilespmem:$0xD70] =	vst v0  }
0x60: {  	v0 =	vld.idx.msk [tilespmem:v20+s8+$0x0], $0xffff;
	_ =	sdelay $0x3  }
0x61: {  	v22 =	vld [tilespmem:$0x1A0]  }
0x62: {  	[tilespmem:$0xD80] =	vst v0  }
0x63: {  	v0 =	vld.idx.msk [tilespmem:v21+s8+$0x0], $0xffff;
	_ =	sdelay $0x3  }
0x64: {  	v23 =	vld [tilespmem:$0x1B0]  }
0x65: {  	[tilespmem:$0xD90] =	vst v0  }
0x66: {  	v0 =	vld.idx.msk [tilespmem:v22+s8+$0x0], $0xffff;
	_ =	sdelay $0x3  }
0x67: {  	v24 =	vld [tilespmem:$0x1C0]  }
0x68: {  	[tilespmem:$0xDA0] =	vst v0  }
0x69: {  	v0 =	vld.idx.msk [tilespmem:v23+s8+$0x0], $0xffff;
	_ =	sdelay $0x3  }
0x6a: {  	v25 =	vld [tilespmem:$0x1D0]  }
0x6b: {  	[tilespmem:$0xDB0] =	vst v0  }
0x6c: {  	v0 =	vld.idx.msk [tilespmem:v24+s8+$0x0], $0xffff;
	_ =	sdelay $0x3  }
0x6d: {  	v26 =	vld [tilespmem:$0x1E0]  }
0x6e: {  	[tilespmem:$0xDC0] =	vst v0  }
0x6f: {  	v0 =	vld.idx.msk [tilespmem:v25+s8+$0x0], $0xffff;
	_ =	sdelay $0x3  }
0x70: {  	v27 =	vld [tilespmem:$0x1F0]  }
0x71: {  	[tilespmem:$0xDD0] =	vst v0  }
0x72: {  	v0 =	vld.idx.msk [tilespmem:v26+s8+$0x0], $0xffff;
	_ =	sdelay $0x3  }
0x73: {  	v28 =	vld [tilespmem:$0x200]  }
0x74: {  	[tilespmem:$0xDE0] =	vst v0  }
0x75: {  	v0 =	vld.idx.msk [tilespmem:v27+s8+$0x0], $0xffff;
	_ =	sdelay $0x3  }
0x76: {  	v29 =	vld [tilespmem:$0x210]  }
0x77: {  	[tilespmem:$0xDF0] =	vst v0  }
0x78: {  	v0 =	vld.idx.msk [tilespmem:v28+s8+$0x0], $0xffff;
	_ =	sdelay $0x3  }
0x79: {  	v30 =	vld [tilespmem:$0x220]  }
0x7a: {  	[tilespmem:$0xE00] =	vst v0  }
0x7b: {  	v0 =	vld.idx.msk [tilespmem:v29+s8+$0x0], $0xffff;
	_ =	sdelay $0x3  }
0x7c: {  	v31 =	vld [tilespmem:$0x230]  }
0x7d: {  	[tilespmem:$0xE10] =	vst v0  }
0x7e: {  	v0 =	vld.idx.msk [tilespmem:v30+s8+$0x0], $0xffff;
	_ =	sdelay $0x3  }
0x7f: {  	v32 =	vld [tilespmem:$0x240]  }
0x80: {  	[tilespmem:$0xE20] =	vst v0  }
0x81: {  	v0 =	vld.idx.msk [tilespmem:v31+s8+$0x0], $0xffff;
	_ =	sdelay $0x3  }
0x82: {  	v33 =	vld [tilespmem:$0x250]  }
0x83: {  	[tilespmem:$0xE30] =	vst v0  }
0x84: {  	v0 =	vld.idx.msk [tilespmem:v32+s8+$0x0], $0xffff;
	_ =	sdelay $0x3  }
0x85: {  	v34 =	vld [tilespmem:$0x260]  }
0x86: {  	[tilespmem:$0xE40] =	vst v0  }
0x87: {  	v0 =	vld.idx.msk [tilespmem:v33+s8+$0x0], $0xffff;
	_ =	sdelay $0x3  }
0x88: {  	v35 =	vld [tilespmem:$0x270]  }
0x89: {  	[tilespmem:$0xE50] =	vst v0  }
0x8a: {  	v0 =	vld.idx.msk [tilespmem:v34+s8+$0x0], $0xffff;
	_ =	sdelay $0x3  }
0x8b: {  	v36 =	vld [tilespmem:$0x280]  }
0x8c: {  	[tilespmem:$0xE60] =	vst v0  }
0x8d: {  	v0 =	vld.idx.msk [tilespmem:v35+s8+$0x0], $0xffff;
	_ =	sdelay $0x3  }
0x8e: {  	v37 =	vld [tilespmem:$0x290]  }
0x8f: {  	[tilespmem:$0xE70] =	vst v0  }
0x90: {  	v0 =	vld.idx.msk [tilespmem:v36+s8+$0x0], $0xffff;
	_ =	sdelay $0x3  }
0x91: {  	v38 =	vld [tilespmem:$0x2A0]  }
0x92: {  	[tilespmem:$0xE80] =	vst v0  }
0x93: {  	v0 =	vld.idx.msk [tilespmem:v37+s8+$0x0], $0xffff;
	_ =	sdelay $0x3  }
0x94: {  	v39 =	vld [tilespmem:$0x2B0]  }
0x95: {  	[tilespmem:$0xE90] =	vst v0  }
0x96: {  	v0 =	vld.idx.msk [tilespmem:v38+s8+$0x0], $0xffff;
	_ =	sdelay $0x3  }
0x97: {  	v40 =	vld [tilespmem:$0x2C0]  }
0x98: {  	[tilespmem:$0xEA0] =	vst v0  }
0x99: {  	v0 =	vld.idx.msk [tilespmem:v39+s8+$0x0], $0xffff;
	_ =	sdelay $0x3  }
0x9a: {  	v41 =	vld [tilespmem:$0x2D0]  }
0x9b: {  	[tilespmem:$0xEB0] =	vst v0  }
0x9c: {  	v0 =	vld.idx.msk [tilespmem:v40+s8+$0x0], $0xffff;
	_ =	sdelay $0x3  }
0x9d: {  	v42 =	vld [tilespmem:$0x2E0]  }
0x9e: {  	[tilespmem:$0xEC0] =	vst v0  }
0x9f: {  	v0 =	vld.idx.msk [tilespmem:v41+s8+$0x0], $0xffff;
	_ =	sdelay $0x3  }
0xa0: {  	v43 =	vld [tilespmem:$0x2F0]  }
0xa1: {  	[tilespmem:$0xED0] =	vst v0  }
0xa2: {  	v0 =	vld.idx.msk [tilespmem:v42+s8+$0x0], $0xffff;
	_ =	sdelay $0x3  }
0xa3: {  	v44 =	vld [tilespmem:$0x300]  }
0xa4: {  	[tilespmem:$0xEE0] =	vst v0  }
0xa5: {  	v0 =	vld.idx.msk [tilespmem:v43+s8+$0x0], $0xffff;
	_ =	sdelay $0x3  }
0xa6: {  	v45 =	vld [tilespmem:$0x310]  }
0xa7: {  	[tilespmem:$0xEF0] =	vst v0  }
0xa8: {  	v0 =	vld.idx.msk [tilespmem:v44+s8+$0x0], $0xffff;
	_ =	sdelay $0x3  }
0xa9: {  	v46 =	vld [tilespmem:$0x320]  }
0xaa: {  	[tilespmem:$0xF00] =	vst v0  }
0xab: {  	v0 =	vld.idx.msk [tilespmem:v45+s8+$0x0], $0xffff;
	_ =	sdelay $0x3  }
0xac: {  	v47 =	vld [tilespmem:$0x330]  }
0xad: {  	[tilespmem:$0xF10] =	vst v0  }
0xae: {  	v0 =	vld.idx.msk [tilespmem:v46+s8+$0x0], $0xffff;
	_ =	sdelay $0x3  }
0xaf: {  	v48 =	vld [tilespmem:$0x340]  }
0xb0: {  	[tilespmem:$0xF20] =	vst v0  }
0xb1: {  	v0 =	vld.idx.msk [tilespmem:v47+s8+$0x0], $0xffff;
	_ =	sdelay $0x3  }
0xb2: {  	v49 =	vld [tilespmem:$0x350]  }
0xb3: {  	[tilespmem:$0xF30] =	vst v0  }
0xb4: {  	v0 =	vld.idx.msk [tilespmem:v48+s8+$0x0], $0xffff;
	_ =	sdelay $0x3  }
0xb5: {  	v50 =	vld [tilespmem:$0x360]  }
0xb6: {  	[tilespmem:$0xF40] =	vst v0  }
0xb7: {  	v0 =	vld.idx.msk [tilespmem:v49+s8+$0x0], $0xffff;
	_ =	sdelay $0x3  }
0xb8: {  	v51 =	vld [tilespmem:$0x370]  }
0xb9: {  	[tilespmem:$0xF50] =	vst v0  }
0xba: {  	v0 =	vld.idx.msk [tilespmem:v50+s8+$0x0], $0xffff;
	_ =	sdelay $0x3  }
0xbb: {  	v52 =	vld [tilespmem:$0x380]  }
0xbc: {  	[tilespmem:$0xF60] =	vst v0  }
0xbd: {  	v0 =	vld.idx.msk [tilespmem:v51+s8+$0x0], $0xffff;
	_ =	sdelay $0x3  }
0xbe: {  	v53 =	vld [tilespmem:$0x390]  }
0xbf: {  	[tilespmem:$0xF70] =	vst v0  }
0xc0: {  	v0 =	vld.idx.msk [tilespmem:v52+s8+$0x0], $0xffff;
	_ =	sdelay $0x3  }
0xc1: {  	v54 =	vld [tilespmem:$0x3A0]  }
0xc2: {  	[tilespmem:$0xF80] =	vst v0  }
0xc3: {  	v0 =	vld.idx.msk [tilespmem:v53+s8+$0x0], $0xffff;
	_ =	sdelay $0x3  }
0xc4: {  	v55 =	vld [tilespmem:$0x3B0]  }
0xc5: {  	[tilespmem:$0xF90] =	vst v0  }
0xc6: {  	v0 =	vld.idx.msk [tilespmem:v54+s8+$0x0], $0xffff;
	_ =	sdelay $0x3  }
0xc7: {  	v56 =	vld [tilespmem:$0x3C0]  }
0xc8: {  	[tilespmem:$0xFA0] =	vst v0  }
0xc9: {  	v0 =	vld.idx.msk [tilespmem:v55+s8+$0x0], $0xffff;
	_ =	sdelay $0x3  }
0xca: {  	v57 =	vld [tilespmem:$0x3D0]  }
0xcb: {  	[tilespmem:$0xFB0] =	vst v0  }
0xcc: {  	v0 =	vld.idx.msk [tilespmem:v56+s8+$0x0], $0xffff;
	_ =	sdelay $0x3  }
0xcd: {  	v58 =	vld [tilespmem:$0x3E0]  }
0xce: {  	[tilespmem:$0xFC0] =	vst v0  }
0xcf: {  	v0 =	vld.idx.msk [tilespmem:v57+s8+$0x0], $0xffff;
	_ =	sdelay $0x3  }
0xd0: {  	v59 =	vld [tilespmem:$0x3F0]  }
0xd1: {  	[tilespmem:$0xFD0] =	vst v0  }
0xd2: {  	v0 =	vld.idx.msk [tilespmem:v58+s8+$0x0], $0xffff;
	_ =	sdelay $0x4  }
0xd3: {  	[tilespmem:$0xFE0] =	vst v0  }
0xd4: {  	v0 =	vld.idx.msk [tilespmem:v59+s8+$0x0], $0xffff;
	_ =	sdelay $0x4  }
0xd5: {  	s30 =	simm.s32 $0xC00;
	s7 =	sadd.s32 s7, s5;
	[tilespmem:$0xFF0] =	vst v0  }
0xd6: {  	[hbm4b:s7+s2] =	stream.linear.scatter [tilespmem:s30], [sflag:$0x1], $0x400, $0x38;
	[tilespmem:$0x1400] =	vst v63  }
0xd7: {  	v60 =	vld [tilespmem:$0x0];
	_ =	sdelay $0x5  }
0xd8: {  	v61 =	vld [tilespmem:$0x10];
	_ =	sdelay $0x1  }
0xd9: {  	v0 =	vld.idx.msk [tilespmem:v60+s28+$0x0], $0xffff;
	_ =	sdelay $0x3  }
0xda: {  	v62 =	vld [tilespmem:$0x20]  }
0xdb: {  	[tilespmem:$0x1000] =	vst v0  }
0xdc: {  	v0 =	vld.idx.msk [tilespmem:v61+s28+$0x0], $0xffff;
	_ =	sdelay $0x3  }
0xdd: {  	v63 =	vld [tilespmem:$0x30]  }
0xde: {  	[tilespmem:$0x1010] =	vst v0  }
0xdf: {  	v0 =	vld.idx.msk [tilespmem:v62+s28+$0x0], $0xffff;
	_ =	sdelay $0x3  }
0xe0: {  	v4 =	vld [tilespmem:$0x40]  }
0xe1: {  	[tilespmem:$0x1020] =	vst v0  }
0xe2: {  	v0 =	vld.idx.msk [tilespmem:v63+s28+$0x0], $0xffff;
	_ =	sdelay $0x3  }
0xe3: {  	v5 =	vld [tilespmem:$0x50]  }
0xe4: {  	[tilespmem:$0x1030] =	vst v0  }
0xe5: {  	v0 =	vld.idx.msk [tilespmem:v4+s28+$0x0], $0xffff;
	_ =	sdelay $0x3  }
0xe6: {  	v6 =	vld [tilespmem:$0x60]  }
0xe7: {  	[tilespmem:$0x1040] =	vst v0  }
0xe8: {  	v0 =	vld.idx.msk [tilespmem:v5+s28+$0x0], $0xffff;
	_ =	sdelay $0x3  }
0xe9: {  	v7 =	vld [tilespmem:$0x70]  }
0xea: {  	[tilespmem:$0x1050] =	vst v0  }
0xeb: {  	v0 =	vld.idx.msk [tilespmem:v6+s28+$0x0], $0xffff;
	_ =	sdelay $0x3  }
0xec: {  	v8 =	vld [tilespmem:$0x80]  }
0xed: {  	[tilespmem:$0x1060] =	vst v0  }
0xee: {  	v0 =	vld.idx.msk [tilespmem:v7+s28+$0x0], $0xffff;
	_ =	sdelay $0x3  }
0xef: {  	v9 =	vld [tilespmem:$0x90]  }
0xf0: {  	[tilespmem:$0x1070] =	vst v0  }
0xf1: {  	v0 =	vld.idx.msk [tilespmem:v8+s28+$0x0], $0xffff;
	_ =	sdelay $0x3  }
0xf2: {  	v10 =	vld [tilespmem:$0xA0]  }
0xf3: {  	[tilespmem:$0x1080] =	vst v0  }
0xf4: {  	v0 =	vld.idx.msk [tilespmem:v9+s28+$0x0], $0xffff;
	_ =	sdelay $0x3  }
0xf5: {  	v11 =	vld [tilespmem:$0xB0]  }
0xf6: {  	[tilespmem:$0x1090] =	vst v0  }
0xf7: {  	v0 =	vld.idx.msk [tilespmem:v10+s28+$0x0], $0xffff;
	_ =	sdelay $0x3  }
0xf8: {  	v12 =	vld [tilespmem:$0xC0]  }
0xf9: {  	[tilespmem:$0x10A0] =	vst v0  }
0xfa: {  	v0 =	vld.idx.msk [tilespmem:v11+s28+$0x0], $0xffff;
	_ =	sdelay $0x3  }
0xfb: {  	v13 =	vld [tilespmem:$0xD0]  }
0xfc: {  	[tilespmem:$0x10B0] =	vst v0  }
0xfd: {  	v0 =	vld.idx.msk [tilespmem:v12+s28+$0x0], $0xffff;
	_ =	sdelay $0x3  }
0xfe: {  	v14 =	vld [tilespmem:$0xE0]  }
0xff: {  	[tilespmem:$0x10C0] =	vst v0  }
0x100: {  	v0 =	vld.idx.msk [tilespmem:v13+s28+$0x0], $0xffff;
	_ =	sdelay $0x3  }
0x101: {  	v15 =	vld [tilespmem:$0xF0]  }
0x102: {  	[tilespmem:$0x10D0] =	vst v0  }
0x103: {  	v0 =	vld.idx.msk [tilespmem:v14+s28+$0x0], $0xffff;
	_ =	sdelay $0x3  }
0x104: {  	v16 =	vld [tilespmem:$0x100]  }
0x105: {  	[tilespmem:$0x10E0] =	vst v0  }
0x106: {  	v0 =	vld.idx.msk [tilespmem:v15+s28+$0x0], $0xffff;
	_ =	sdelay $0x3  }
0x107: {  	v17 =	vld [tilespmem:$0x110]  }
0x108: {  	[tilespmem:$0x10F0] =	vst v0  }
0x109: {  	v0 =	vld.idx.msk [tilespmem:v16+s28+$0x0], $0xffff;
	_ =	sdelay $0x3  }
0x10a: {  	v18 =	vld [tilespmem:$0x120]  }
0x10b: {  	[tilespmem:$0x1100] =	vst v0  }
0x10c: {  	v0 =	vld.idx.msk [tilespmem:v17+s28+$0x0], $0xffff;
	_ =	sdelay $0x3  }
0x10d: {  	v19 =	vld [tilespmem:$0x130]  }
0x10e: {  	[tilespmem:$0x1110] =	vst v0  }
0x10f: {  	v0 =	vld.idx.msk [tilespmem:v18+s28+$0x0], $0xffff;
	_ =	sdelay $0x3  }
0x110: {  	v20 =	vld [tilespmem:$0x140]  }
0x111: {  	[tilespmem:$0x1120] =	vst v0  }
0x112: {  	v0 =	vld.idx.msk [tilespmem:v19+s28+$0x0], $0xffff;
	_ =	sdelay $0x3  }
0x113: {  	v21 =	vld [tilespmem:$0x150]  }
0x114: {  	[tilespmem:$0x1130] =	vst v0  }
0x115: {  	v0 =	vld.idx.msk [tilespmem:v20+s28+$0x0], $0xffff;
	_ =	sdelay $0x3  }
0x116: {  	v22 =	vld [tilespmem:$0x160]  }
0x117: {  	[tilespmem:$0x1140] =	vst v0  }
0x118: {  	v0 =	vld.idx.msk [tilespmem:v21+s28+$0x0], $0xffff;
	_ =	sdelay $0x3  }
0x119: {  	v23 =	vld [tilespmem:$0x170]  }
0x11a: {  	[tilespmem:$0x1150] =	vst v0  }
0x11b: {  	v0 =	vld.idx.msk [tilespmem:v22+s28+$0x0], $0xffff;
	_ =	sdelay $0x3  }
0x11c: {  	v24 =	vld [tilespmem:$0x180]  }
0x11d: {  	[tilespmem:$0x1160] =	vst v0  }
0x11e: {  	v0 =	vld.idx.msk [tilespmem:v23+s28+$0x0], $0xffff;
	_ =	sdelay $0x3  }
0x11f: {  	v25 =	vld [tilespmem:$0x190]  }
0x120: {  	[tilespmem:$0x1170] =	vst v0  }
0x121: {  	v0 =	vld.idx.msk [tilespmem:v24+s28+$0x0], $0xffff;
	_ =	sdelay $0x3  }
0x122: {  	v26 =	vld [tilespmem:$0x1A0]  }
0x123: {  	[tilespmem:$0x1180] =	vst v0  }
0x124: {  	v0 =	vld.idx.msk [tilespmem:v25+s28+$0x0], $0xffff;
	_ =	sdelay $0x3  }
0x125: {  	v27 =	vld [tilespmem:$0x1B0]  }
0x126: {  	[tilespmem:$0x1190] =	vst v0  }
0x127: {  	v0 =	vld.idx.msk [tilespmem:v26+s28+$0x0], $0xffff;
	_ =	sdelay $0x3  }
0x128: {  	v28 =	vld [tilespmem:$0x1C0]  }
0x129: {  	[tilespmem:$0x11A0] =	vst v0  }
0x12a: {  	v0 =	vld.idx.msk [tilespmem:v27+s28+$0x0], $0xffff;
	_ =	sdelay $0x3  }
0x12b: {  	v29 =	vld [tilespmem:$0x1D0]  }
0x12c: {  	[tilespmem:$0x11B0] =	vst v0  }
0x12d: {  	v0 =	vld.idx.msk [tilespmem:v28+s28+$0x0], $0xffff;
	_ =	sdelay $0x3  }
0x12e: {  	v30 =	vld [tilespmem:$0x1E0]  }
0x12f: {  	[tilespmem:$0x11C0] =	vst v0  }
0x130: {  	v0 =	vld.idx.msk [tilespmem:v29+s28+$0x0], $0xffff;
	_ =	sdelay $0x3  }
0x131: {  	v31 =	vld [tilespmem:$0x1F0]  }
0x132: {  	[tilespmem:$0x11D0] =	vst v0  }
0x133: {  	v0 =	vld.idx.msk [tilespmem:v30+s28+$0x0], $0xffff;
	_ =	sdelay $0x3  }
0x134: {  	v32 =	vld [tilespmem:$0x200]  }
0x135: {  	[tilespmem:$0x11E0] =	vst v0  }
0x136: {  	v0 =	vld.idx.msk [tilespmem:v31+s28+$0x0], $0xffff;
	_ =	sdelay $0x3  }
0x137: {  	v33 =	vld [tilespmem:$0x210]  }
0x138: {  	[tilespmem:$0x11F0] =	vst v0  }
0x139: {  	v0 =	vld.idx.msk [tilespmem:v32+s28+$0x0], $0xffff;
	_ =	sdelay $0x3  }
0x13a: {  	v34 =	vld [tilespmem:$0x220]  }
0x13b: {  	[tilespmem:$0x1200] =	vst v0  }
0x13c: {  	v0 =	vld.idx.msk [tilespmem:v33+s28+$0x0], $0xffff;
	_ =	sdelay $0x3  }
0x13d: {  	v35 =	vld [tilespmem:$0x230]  }
0x13e: {  	[tilespmem:$0x1210] =	vst v0  }
0x13f: {  	v0 =	vld.idx.msk [tilespmem:v34+s28+$0x0], $0xffff;
	_ =	sdelay $0x3  }
0x140: {  	v36 =	vld [tilespmem:$0x240]  }
0x141: {  	[tilespmem:$0x1220] =	vst v0  }
0x142: {  	v0 =	vld.idx.msk [tilespmem:v35+s28+$0x0], $0xffff;
	_ =	sdelay $0x3  }
0x143: {  	v37 =	vld [tilespmem:$0x250]  }
0x144: {  	[tilespmem:$0x1230] =	vst v0  }
0x145: {  	v0 =	vld.idx.msk [tilespmem:v36+s28+$0x0], $0xffff;
	_ =	sdelay $0x3  }
0x146: {  	v38 =	vld [tilespmem:$0x260]  }
0x147: {  	[tilespmem:$0x1240] =	vst v0  }
0x148: {  	v0 =	vld.idx.msk [tilespmem:v37+s28+$0x0], $0xffff;
	_ =	sdelay $0x3  }
0x149: {  	v39 =	vld [tilespmem:$0x270]  }
0x14a: {  	[tilespmem:$0x1250] =	vst v0  }
0x14b: {  	v0 =	vld.idx.msk [tilespmem:v38+s28+$0x0], $0xffff;
	_ =	sdelay $0x3  }
0x14c: {  	v40 =	vld [tilespmem:$0x280]  }
0x14d: {  	[tilespmem:$0x1260] =	vst v0  }
0x14e: {  	v0 =	vld.idx.msk [tilespmem:v39+s28+$0x0], $0xffff;
	_ =	sdelay $0x3  }
0x14f: {  	v41 =	vld [tilespmem:$0x290]  }
0x150: {  	[tilespmem:$0x1270] =	vst v0  }
0x151: {  	v0 =	vld.idx.msk [tilespmem:v40+s28+$0x0], $0xffff;
	_ =	sdelay $0x3  }
0x152: {  	v42 =	vld [tilespmem:$0x2A0]  }
0x153: {  	[tilespmem:$0x1280] =	vst v0  }
0x154: {  	v0 =	vld.idx.msk [tilespmem:v41+s28+$0x0], $0xffff;
	_ =	sdelay $0x3  }
0x155: {  	v43 =	vld [tilespmem:$0x2B0]  }
0x156: {  	[tilespmem:$0x1290] =	vst v0  }
0x157: {  	v0 =	vld.idx.msk [tilespmem:v42+s28+$0x0], $0xffff;
	_ =	sdelay $0x3  }
0x158: {  	v44 =	vld [tilespmem:$0x2C0]  }
0x159: {  	[tilespmem:$0x12A0] =	vst v0  }
0x15a: {  	v0 =	vld.idx.msk [tilespmem:v43+s28+$0x0], $0xffff;
	_ =	sdelay $0x3  }
0x15b: {  	v45 =	vld [tilespmem:$0x2D0]  }
0x15c: {  	[tilespmem:$0x12B0] =	vst v0  }
0x15d: {  	v0 =	vld.idx.msk [tilespmem:v44+s28+$0x0], $0xffff;
	_ =	sdelay $0x3  }
0x15e: {  	v46 =	vld [tilespmem:$0x2E0]  }
0x15f: {  	[tilespmem:$0x12C0] =	vst v0  }
0x160: {  	v0 =	vld.idx.msk [tilespmem:v45+s28+$0x0], $0xffff;
	_ =	sdelay $0x3  }
0x161: {  	v47 =	vld [tilespmem:$0x2F0]  }
0x162: {  	[tilespmem:$0x12D0] =	vst v0  }
0x163: {  	v0 =	vld.idx.msk [tilespmem:v46+s28+$0x0], $0xffff;
	_ =	sdelay $0x3  }
0x164: {  	v48 =	vld [tilespmem:$0x300]  }
0x165: {  	[tilespmem:$0x12E0] =	vst v0  }
0x166: {  	v0 =	vld.idx.msk [tilespmem:v47+s28+$0x0], $0xffff;
	_ =	sdelay $0x3  }
0x167: {  	v49 =	vld [tilespmem:$0x310]  }
0x168: {  	[tilespmem:$0x12F0] =	vst v0  }
0x169: {  	v0 =	vld.idx.msk [tilespmem:v48+s28+$0x0], $0xffff;
	_ =	sdelay $0x3  }
0x16a: {  	v50 =	vld [tilespmem:$0x320]  }
0x16b: {  	[tilespmem:$0x1300] =	vst v0  }
0x16c: {  	v0 =	vld.idx.msk [tilespmem:v49+s28+$0x0], $0xffff;
	_ =	sdelay $0x3  }
0x16d: {  	v51 =	vld [tilespmem:$0x330]  }
0x16e: {  	[tilespmem:$0x1310] =	vst v0  }
0x16f: {  	v0 =	vld.idx.msk [tilespmem:v50+s28+$0x0], $0xffff;
	_ =	sdelay $0x3  }
0x170: {  	v52 =	vld [tilespmem:$0x340]  }
0x171: {  	[tilespmem:$0x1320] =	vst v0  }
0x172: {  	v0 =	vld.idx.msk [tilespmem:v51+s28+$0x0], $0xffff;
	_ =	sdelay $0x3  }
0x173: {  	v53 =	vld [tilespmem:$0x350]  }
0x174: {  	[tilespmem:$0x1330] =	vst v0  }
0x175: {  	v0 =	vld.idx.msk [tilespmem:v52+s28+$0x0], $0xffff;
	_ =	sdelay $0x3  }
0x176: {  	v54 =	vld [tilespmem:$0x360]  }
0x177: {  	[tilespmem:$0x1340] =	vst v0  }
0x178: {  	v0 =	vld.idx.msk [tilespmem:v53+s28+$0x0], $0xffff;
	_ =	sdelay $0x3  }
0x179: {  	v55 =	vld [tilespmem:$0x370]  }
0x17a: {  	[tilespmem:$0x1350] =	vst v0  }
0x17b: {  	v0 =	vld.idx.msk [tilespmem:v54+s28+$0x0], $0xffff;
	_ =	sdelay $0x3  }
0x17c: {  	v56 =	vld [tilespmem:$0x380]  }
0x17d: {  	[tilespmem:$0x1360] =	vst v0  }
0x17e: {  	v0 =	vld.idx.msk [tilespmem:v55+s28+$0x0], $0xffff;
	_ =	sdelay $0x3  }
0x17f: {  	v57 =	vld [tilespmem:$0x390]  }
0x180: {  	[tilespmem:$0x1370] =	vst v0  }
0x181: {  	v0 =	vld.idx.msk [tilespmem:v56+s28+$0x0], $0xffff;
	_ =	sdelay $0x3  }
0x182: {  	v58 =	vld [tilespmem:$0x3A0]  }
0x183: {  	[tilespmem:$0x1380] =	vst v0  }
0x184: {  	v0 =	vld.idx.msk [tilespmem:v57+s28+$0x0], $0xffff;
	_ =	sdelay $0x3  }
0x185: {  	v59 =	vld [tilespmem:$0x3B0]  }
0x186: {  	[tilespmem:$0x1390] =	vst v0  }
0x187: {  	v0 =	vld.idx.msk [tilespmem:v58+s28+$0x0], $0xffff;
	_ =	sdelay $0x3  }
0x188: {  	v60 =	vld [tilespmem:$0x3C0]  }
0x189: {  	[tilespmem:$0x13A0] =	vst v0  }
0x18a: {  	v0 =	vld.idx.msk [tilespmem:v59+s28+$0x0], $0xffff;
	_ =	sdelay $0x3  }
0x18b: {  	v61 =	vld [tilespmem:$0x3D0]  }
0x18c: {  	[tilespmem:$0x13B0] =	vst v0  }
0x18d: {  	v0 =	vld.idx.msk [tilespmem:v60+s28+$0x0], $0xffff;
	_ =	sdelay $0x3  }
0x18e: {  	v62 =	vld [tilespmem:$0x3E0]  }
0x18f: {  	[tilespmem:$0x13C0] =	vst v0  }
0x190: {  	v0 =	vld.idx.msk [tilespmem:v61+s28+$0x0], $0xffff;
	_ =	sdelay $0x3  }
0x191: {  	v63 =	vld [tilespmem:$0x3F0]  }
0x192: {  	[tilespmem:$0x13D0] =	vst v0  }
0x193: {  	v0 =	vld.idx.msk [tilespmem:v62+s28+$0x0], $0xffff;
	_ =	sdelay $0x4  }
0x194: {  	[tilespmem:$0x13E0] =	vst v0  }
0x195: {  	v0 =	vld.idx.msk [tilespmem:v63+s28+$0x0], $0xffff;
	_ =	sdelay $0x4  }
0x196: {  	s31 =	simm.s32 $0x1000;
	s3 =	sadd.s32 s3, s5;
	[tilespmem:$0x13F0] =	vst v0  }
0x197: {  	[hbm4b:s3+s2] =	stream.linear.scatter [tilespmem:s31], [sflag:$0x1], $0x400, $0x38;
	[tilespmem:$0x1400] =	vst v63  }
0x198: {  	_ =	swait.ge [sflag:s29], $0x400  }
0x199: {  	[sflag:s29] =	ssyncset.done $0x0  }
0x19a: {  	[sflag:s29] =	ssyncadd.s32 $0xFFFFFC00  }
0x19b: {  	_ =	swait.ge [sflag:s29], $0x400  }
0x19c: {  	[sflag:s29] =	ssyncset.done $0x0  }
0x19d: {  	[sflag:s29] =	ssyncadd.s32 $0xFFFFFC00  }
0x19e: {  	_ =	sfence.sel $0x180000  }
0x19f: {  	[bflag:$0x0] =	sbarrier.arrive $0xFFFF  }
0x1a0: {  	p0 =	sne.s32 s1, $0x0;
	_ =	strace $0x90000047  }
0x1a1: {  	s0 =	sadd.s32 @!p0 $0x100000, s0;
	[bflag:$0x2] =	sbarrier.arrive $0xFFFF  }
0x1a2: {  	[sflag:s0] =	ssyncadd.tile.s32 @!p0 $0x1;
	_ =	shalt  }
.Lfunc_end2:
_tile_overlayer_lowered:
.L_overlay_start_2:
0x1a3: {  	(tag) =	ssettag $0x2  }
0x1a4: {  	s0 =	rddreg [dreg:$0x0];
	s2 =	stileid.u32  }
0x1a5: {  	s1 =	rddreg [dreg:$0x1];
	p0 =	sne.s32 s2, $0x0  }
0x1a6: {  	s3 =	rddreg [dreg:$0x2];
	[bflag:$0x3] =	sbarrier.arrive $0xFFFF;
	s2 =	simm.s32 @!p0 $0x1C02  }
0x1a7: {  	[timem:s3], [sflag:s2] =	dma.local @!p0 [hbm:s0], s1  }
0x1a8: {  	s0 =	simm.s32 @!p0 $0x2  }
0x1a9: {  	_ =	swait.ge @!p0 [sflag:s0], s1  }
0x1aa: {  	s1 =	ssub.s32 @!p0 $0x0, s1;
	[sflag:s0] =	ssyncset.done @!p0 $0x0  }
0x1ab: {  	[sflag:s0] =	ssyncadd.s32 @!p0 s1  }
0x1ac: {  	[bflag:$0x3] =	sbarrier.arrive $0xFFFF  }
0x1ad: {  	_ =	shalt  }

</sc_bundles>
